<compile_context>
chip_gen: v7x
topology: tpu7x:2x2x1
jax: 0.10.2.dev20260603
libtpu: 0.0.44.dev20260713+nightly
codegen_flags: <defaults>
</compile_context>

<pallas_src>
import functools

import jax
import jax.numpy as jnp
from jax import lax
from jax.experimental import pallas as pl
from jax.experimental.pallas import tpu as pltpu
from jax.experimental.pallas import tpu_sc as plsc

S = 50000
D = 128
NC, NS = 2, 16
NW = NC * NS
NB = 2
CMAX = 504
SPAN_A, SPAN_B = 1568, 1480
NWA = 30
SIZES_A = [504] * 3 + [56]
SIZES_B = [504, 504, 472]


def _span_pipeline(base, sizes, x_hbm, sub_hbm, idx_hbm, out_hbm,
                   idx_all, rows, sem_i, sem_s, sem_g, sem_o):
    K = len(sizes)
    offs = [sum(sizes[:j]) for j in range(K)]
    total = sum(sizes)

    def idx_desc():
        return pltpu.make_async_copy(
            idx_hbm.at[pl.ds(0, total)], idx_all.at[pl.ds(0, total)], sem_i)

    def L(j):
        b = j % NB
        pltpu.async_copy(sub_hbm.at[pl.ds(base + offs[j], sizes[j])],
                         rows[b].at[pl.ds(0, sizes[j])], sem_s[b])

    def G(j):
        b = j % NB
        pltpu.make_async_copy(sub_hbm.at[pl.ds(0, sizes[j])],
                              rows[b].at[pl.ds(0, sizes[j])], sem_s[b]).wait()
        pltpu.async_copy(x_hbm.at[idx_all.at[pl.ds(offs[j], sizes[j])]],
                         rows[b].at[pl.ds(0, sizes[j])], sem_g[b], add=True)

    def W(j):
        b = j % NB
        pltpu.make_async_copy(x_hbm.at[idx_all.at[pl.ds(offs[j], sizes[j])]],
                              rows[b].at[pl.ds(0, sizes[j])], sem_g[b]).wait()
        pltpu.async_copy(rows[b].at[pl.ds(0, sizes[j])],
                         out_hbm.at[pl.ds(base + offs[j], sizes[j])], sem_o[b])

    def Dr(j):
        b = j % NB
        pltpu.make_async_copy(rows[b].at[pl.ds(0, sizes[j])],
                              out_hbm.at[pl.ds(0, sizes[j])], sem_o[b]).wait()

    pltpu.async_copy(idx_hbm.at[pl.ds(base, total)],
                     idx_all.at[pl.ds(0, total)], sem_i)
    L(0)
    if K > 1:
        L(1)
    idx_desc().wait()
    G(0)
    for j in range(K):
        W(j)
        if j - 1 >= 0:
            Dr(j - 1)
        if j + 2 < K:
            L(j + 2)
        if j + 1 < K:
            G(j + 1)
    Dr(K - 1)


def _sc_body(x_hbm, sub_hbm, idx_hbm, out_hbm, idx_all, *sc):
    wid = lax.axis_index("s") * NC + lax.axis_index("c")
    rows = sc[:NB]
    si = sc[NB]
    sem_s = sc[NB + 1:2 * NB + 1]
    sem_g = sc[2 * NB + 1:3 * NB + 1]
    sem_o = sc[3 * NB + 1:4 * NB + 1]
    args = (x_hbm, sub_hbm, idx_hbm, out_hbm,
            idx_all, rows, si, sem_s, sem_g, sem_o)

    @pl.when(wid < NWA)
    def _():
        _span_pipeline(wid * SPAN_A, SIZES_A, *args)

    @pl.when(wid >= NWA)
    def _():
        _span_pipeline(NWA * SPAN_A + (wid - NWA) * SPAN_B, SIZES_B, *args)


def kernel(x, sub_representations, new_nodes):
    idx = new_nodes.reshape(-1)

    mesh = plsc.VectorSubcoreMesh(core_axis_name="c", subcore_axis_name="s")
    run = functools.partial(
        pl.kernel,
        mesh=mesh,
        out_type=jax.ShapeDtypeStruct((S, D), jnp.float32),
        scratch_types=(
            [pltpu.VMEM((SPAN_A,), jnp.int32)]
            + [pltpu.VMEM((CMAX, D), jnp.float32) for _ in range(NB)]
            + [pltpu.SemaphoreType.DMA for _ in range(1 + 3 * NB)]
        ),
    )(_sc_body)
    return run(x, sub_representations, idx)

# --- scband reference (transcript-rebuilt; emitter-appended) ---
"""Pipeline reference for scband-node-func-55155970015731 (READ-ONLY COPY).

The authoritative reference and input builder live on the scoring server;
editing this copy changes nothing except your own understanding.
"""

import jax, jax.numpy as jnp
import numpy as np

N_NODES = 100000
D_FEAT = 128
N_SUBS = 50000
K_NEW = 1

def setup_inputs(seed: int = 0) -> dict:
    key = jax.random.key(seed)
    k1, k2, k3 = jax.random.split(key, 3)
    x = jax.random.normal(k1, (N_NODES, D_FEAT), dtype=jnp.float32)
    sub_representations = jax.random.normal(k2, (N_SUBS, D_FEAT), dtype=jnp.float32)
    new_nodes = jax.random.randint(k3, (N_SUBS, K_NEW), 0, N_NODES, dtype=jnp.int32)
    return {"x": x, "sub_representations": sub_representations, "new_nodes": new_nodes}

def reference(x, sub_representations, new_nodes):
    # Original torch forward (op='node_add_1'):
    #   for i in range(len(new_nodes)):
    #       new_h = x[new_nodes[i], :]                       # gather rows for sub i
    #       new_sub[i] = sub_representations[i] + new_h.sum(0)
    # Vectorized as a batched gather + sum + elementwise add.
    new_h = jnp.take(x, new_nodes, axis=0)           # [S, K_NEW, d]
    new_sub_representations = sub_representations + jnp.sum(new_h, axis=1)
    return new_sub_representations

if __name__ == "__main__":
    import jax
    _d = setup_inputs()
    print(jax.jit(kernel)(*tuple(_d.values())))

</pallas_src>

<mosaic_0001>
#map = affine_map<(d0, d1) -> (0, 0)>
#map1 = affine_map<(d0, d1) -> (0)>
module attributes {stable_mosaic.version = 14 : i64} {
  func.func @_sc_body(%arg0: i32, %arg1: i32, %arg2: memref<100000x128xf32, #tpu.memory_space<hbm>>, %arg3: memref<50000x128xf32, #tpu.memory_space<hbm>>, %arg4: memref<50000xi32, #tpu.memory_space<hbm>>, %arg5: memref<50000x128xf32, #tpu.memory_space<hbm>>, %arg6: memref<1568xi32, #tpu.memory_space<vmem>>, %arg7: memref<504x128xf32, #tpu.memory_space<vmem>>, %arg8: memref<504x128xf32, #tpu.memory_space<vmem>>, %arg9: memref<!tpu.dma_semaphore, #tpu.memory_space<semaphore_mem>>, %arg10: memref<!tpu.dma_semaphore, #tpu.memory_space<semaphore_mem>>, %arg11: memref<!tpu.dma_semaphore, #tpu.memory_space<semaphore_mem>>, %arg12: memref<!tpu.dma_semaphore, #tpu.memory_space<semaphore_mem>>, %arg13: memref<!tpu.dma_semaphore, #tpu.memory_space<semaphore_mem>>, %arg14: memref<!tpu.dma_semaphore, #tpu.memory_space<semaphore_mem>>, %arg15: memref<!tpu.dma_semaphore, #tpu.memory_space<semaphore_mem>>) attributes {dimension_semantics = [#tpu.dimension_semantics<core_parallel>, #tpu.dimension_semantics<subcore_parallel>], iteration_bounds = array<i64: 2, 16>, scalar_prefetch = 0 : i64, scratch_operands = 10 : i64, tpu.core_type = #tpu.core_type<sc_vector_subcore>, window_params = [{transform_indices = #map}, {transform_indices = #map}, {transform_indices = #map1}, {transform_indices = #map}]} {
    %mul3A = arith.constant 2 : i32
    %mul3A_0 = arith.muli %arg1, %mul3A : i32
    %add3A = arith.addi %mul3A_0, %arg0 : i32
    %lt3A = arith.constant 30 : i32
    %lt3A_1 = arith.cmpi slt, %add3A, %lt3A : i32
    %convert_element_type3A = arith.extui %lt3A_1 : i1 to i32
    %cond3A = arith.constant 0 : i32
    %cond3A_2 = arith.cmpi ne, %convert_element_type3A, %cond3A : i32
    scf.if %cond3A_2 {
      %mul3A_7 = arith.constant 1568 : i32
      %mul3A_8 = arith.muli %add3A, %mul3A_7 : i32
      %dma_start3A = arith.constant 0 : i32
      %dma_start3A_9 = tpu.memref_slice %arg6[%dma_start3A] : memref<1568xi32, #tpu.memory_space<vmem>> -> memref<1568xi32, #tpu.memory_space<vmem>>
      %dma_start3A_10 = tpu.memref_slice %arg4[%mul3A_8] : memref<50000xi32, #tpu.memory_space<hbm>> -> memref<1568xi32, #tpu.memory_space<hbm>>
      %dma_start3A_11 = arith.constant 0 : i32
      %dma_start3A_12 = tpu.memref_slice %arg6[%dma_start3A_11] : memref<1568xi32, #tpu.memory_space<vmem>> -> memref<1568xi32, #tpu.memory_space<vmem>>
      %dma_start3A_13 = tpu.memref_slice %arg4[%mul3A_8] : memref<50000xi32, #tpu.memory_space<hbm>> -> memref<1568xi32, #tpu.memory_space<hbm>>
      tpu.enqueue_dma source(%dma_start3A_13 : memref<1568xi32, #tpu.memory_space<hbm>>) target(%dma_start3A_12 : memref<1568xi32, #tpu.memory_space<vmem>>) target_semaphore(%arg9 : memref<!tpu.dma_semaphore, #tpu.memory_space<semaphore_mem>>)
      %add3A_14 = arith.constant 0 : i32
      %add3A_15 = arith.addi %mul3A_8, %add3A_14 : i32
      %dma_start3A_16 = arith.constant 0 : i32
      %dma_start3A_17 = arith.constant 0 : i32
      %dma_start3A_18 = tpu.memref_slice %arg7[%dma_start3A_16, %dma_start3A_17] : memref<504x128xf32, #tpu.memory_space<vmem>> -> memref<504x128xf32, #tpu.memory_space<vmem>>
      %dma_start3A_19 = arith.constant 0 : i32
      %dma_start3A_20 = tpu.memref_slice %arg3[%add3A_15, %dma_start3A_19] : memref<50000x128xf32, #tpu.memory_space<hbm>> -> memref<504x128xf32, #tpu.memory_space<hbm>>
      %dma_start3A_21 = arith.constant 0 : i32
      %dma_start3A_22 = arith.constant 0 : i32
      %dma_start3A_23 = tpu.memref_slice %arg7[%dma_start3A_21, %dma_start3A_22] : memref<504x128xf32, #tpu.memory_space<vmem>> -> memref<504x128xf32, #tpu.memory_space<vmem>>
      %dma_start3A_24 = arith.constant 0 : i32
      %dma_start3A_25 = tpu.memref_slice %arg3[%add3A_15, %dma_start3A_24] : memref<50000x128xf32, #tpu.memory_space<hbm>> -> memref<504x128xf32, #tpu.memory_space<hbm>>
      tpu.enqueue_dma source(%dma_start3A_25 : memref<504x128xf32, #tpu.memory_space<hbm>>) target(%dma_start3A_23 : memref<504x128xf32, #tpu.memory_space<vmem>>) target_semaphore(%arg10 : memref<!tpu.dma_semaphore, #tpu.memory_space<semaphore_mem>>)
      %add3A_26 = arith.constant 504 : i32
      %add3A_27 = arith.addi %mul3A_8, %add3A_26 : i32
      %dma_start3A_28 = arith.constant 0 : i32
      %dma_start3A_29 = arith.constant 0 : i32
      %dma_start3A_30 = tpu.memref_slice %arg8[%dma_start3A_28, %dma_start3A_29] : memref<504x128xf32, #tpu.memory_space<vmem>> -> memref<504x128xf32, #tpu.memory_space<vmem>>
      %dma_start3A_31 = arith.constant 0 : i32
      %dma_start3A_32 = tpu.memref_slice %arg3[%add3A_27, %dma_start3A_31] : memref<50000x128xf32, #tpu.memory_space<hbm>> -> memref<504x128xf32, #tpu.memory_space<hbm>>
      %dma_start3A_33 = arith.constant 0 : i32
      %dma_start3A_34 = arith.constant 0 : i32
      %dma_start3A_35 = tpu.memref_slice %arg8[%dma_start3A_33, %dma_start3A_34] : memref<504x128xf32, #tpu.memory_space<vmem>> -> memref<504x128xf32, #tpu.memory_space<vmem>>
      %dma_start3A_36 = arith.constant 0 : i32
      %dma_start3A_37 = tpu.memref_slice %arg3[%add3A_27, %dma_start3A_36] : memref<50000x128xf32, #tpu.memory_space<hbm>> -> memref<504x128xf32, #tpu.memory_space<hbm>>
      tpu.enqueue_dma source(%dma_start3A_37 : memref<504x128xf32, #tpu.memory_space<hbm>>) target(%dma_start3A_35 : memref<504x128xf32, #tpu.memory_space<vmem>>) target_semaphore(%arg11 : memref<!tpu.dma_semaphore, #tpu.memory_space<semaphore_mem>>)
      %dma_wait3A = arith.constant 0 : i32
      %dma_wait3A_38 = tpu.memref_slice %arg6[%dma_wait3A] : memref<1568xi32, #tpu.memory_space<vmem>> -> memref<1568xi32, #tpu.memory_space<vmem>>
      %dma_wait3A_39 = arith.constant 0 : i32
      %dma_wait3A_40 = tpu.memref_slice %arg4[%dma_wait3A_39] : memref<50000xi32, #tpu.memory_space<hbm>> -> memref<1568xi32, #tpu.memory_space<hbm>>
      %dma_wait3A_41 = arith.constant 0 : i32
      %dma_wait3A_42 = tpu.memref_slice %arg6[%dma_wait3A_41] : memref<1568xi32, #tpu.memory_space<vmem>> -> memref<1568xi32, #tpu.memory_space<vmem>>
      %dma_wait3A_43 = arith.constant 0 : i32
      %dma_wait3A_44 = tpu.memref_slice %arg4[%dma_wait3A_43] : memref<50000xi32, #tpu.memory_space<hbm>> -> memref<1568xi32, #tpu.memory_space<hbm>>
      tpu.wait_dma2 semaphore(%arg9 : memref<!tpu.dma_semaphore, #tpu.memory_space<semaphore_mem>>) src(%dma_wait3A_44 : memref<1568xi32, #tpu.memory_space<hbm>>) dst(%dma_wait3A_42 : memref<1568xi32, #tpu.memory_space<vmem>>)
      %dma_wait3A_45 = arith.constant 0 : i32
      %dma_wait3A_46 = arith.constant 0 : i32
      %dma_wait3A_47 = tpu.memref_slice %arg7[%dma_wait3A_45, %dma_wait3A_46] : memref<504x128xf32, #tpu.memory_space<vmem>> -> memref<504x128xf32, #tpu.memory_space<vmem>>
      %dma_wait3A_48 = arith.constant 0 : i32
      %dma_wait3A_49 = arith.constant 0 : i32
      %dma_wait3A_50 = tpu.memref_slice %arg3[%dma_wait3A_48, %dma_wait3A_49] : memref<50000x128xf32, #tpu.memory_space<hbm>> -> memref<504x128xf32, #tpu.memory_space<hbm>>
      %dma_wait3A_51 = arith.constant 0 : i32
      %dma_wait3A_52 = arith.constant 0 : i32
      %dma_wait3A_53 = tpu.memref_slice %arg7[%dma_wait3A_51, %dma_wait3A_52] : memref<504x128xf32, #tpu.memory_space<vmem>> -> memref<504x128xf32, #tpu.memory_space<vmem>>
      %dma_wait3A_54 = arith.constant 0 : i32
      %dma_wait3A_55 = arith.constant 0 : i32
      %dma_wait3A_56 = tpu.memref_slice %arg3[%dma_wait3A_54, %dma_wait3A_55] : memref<50000x128xf32, #tpu.memory_space<hbm>> -> memref<504x128xf32, #tpu.memory_space<hbm>>
      tpu.wait_dma2 semaphore(%arg10 : memref<!tpu.dma_semaphore, #tpu.memory_space<semaphore_mem>>) src(%dma_wait3A_56 : memref<504x128xf32, #tpu.memory_space<hbm>>) dst(%dma_wait3A_53 : memref<504x128xf32, #tpu.memory_space<vmem>>)
      %dma_start3A_57 = arith.constant 0 : i32
      %dma_start3A_58 = arith.constant 0 : i32
      %dma_start3A_59 = tpu.memref_slice %arg7[%dma_start3A_57, %dma_start3A_58] : memref<504x128xf32, #tpu.memory_space<vmem>> -> memref<504x128xf32, #tpu.memory_space<vmem>>
      %dma_start3A_60 = arith.constant 0 : i32
      %dma_start3A_61 = tpu.memref_slice %arg6[%dma_start3A_60] : memref<1568xi32, #tpu.memory_space<vmem>> -> memref<504xi32, #tpu.memory_space<vmem>>
      %dma_start3A_62 = arith.constant 0 : i32
      %dma_start3A_63 = arith.constant 0 : i32
      %dma_start3A_64 = tpu.memref_slice %arg2[%dma_start3A_62, %dma_start3A_63] : memref<100000x128xf32, #tpu.memory_space<hbm>> -> memref<100000x128xf32, #tpu.memory_space<hbm>>
      tpu.enqueue_indirect_dma source(%dma_start3A_64 : memref<100000x128xf32, #tpu.memory_space<hbm>>) target(%dma_start3A_59 : memref<504x128xf32, #tpu.memory_space<vmem>>) offsets(%dma_start3A_61 : memref<504xi32, #tpu.memory_space<vmem>>) semaphore(%arg12 : memref<!tpu.dma_semaphore, #tpu.memory_space<semaphore_mem>>) {add = true}
      %dma_wait3A_65 = arith.constant 0 : i32
      %dma_wait3A_66 = arith.constant 0 : i32
      %dma_wait3A_67 = tpu.memref_slice %arg7[%dma_wait3A_65, %dma_wait3A_66] : memref<504x128xf32, #tpu.memory_space<vmem>> -> memref<504x128xf32, #tpu.memory_space<vmem>>
      %dma_wait3A_68 = arith.constant 0 : i32
      %dma_wait3A_69 = tpu.memref_slice %arg6[%dma_wait3A_68] : memref<1568xi32, #tpu.memory_space<vmem>> -> memref<504xi32, #tpu.memory_space<vmem>>
      %dma_wait3A_70 = arith.constant 0 : i32
      %dma_wait3A_71 = arith.constant 0 : i32
      %dma_wait3A_72 = tpu.memref_slice %arg2[%dma_wait3A_70, %dma_wait3A_71] : memref<100000x128xf32, #tpu.memory_space<hbm>> -> memref<100000x128xf32, #tpu.memory_space<hbm>>
      tpu.wait_indirect_dma semaphore(%arg12 : memref<!tpu.dma_semaphore, #tpu.memory_space<semaphore_mem>>) src(%dma_wait3A_72 : memref<100000x128xf32, #tpu.memory_space<hbm>>) dst(%dma_wait3A_67 : memref<504x128xf32, #tpu.memory_space<vmem>>)
      %add3A_73 = arith.constant 0 : i32
      %add3A_74 = arith.addi %mul3A_8, %add3A_73 : i32
      %dma_start3A_75 = arith.constant 0 : i32
      %dma_start3A_76 = arith.constant 0 : i32
      %dma_start3A_77 = tpu.memref_slice %arg7[%dma_start3A_75, %dma_start3A_76] : memref<504x128xf32, #tpu.memory_space<vmem>> -> memref<504x128xf32, #tpu.memory_space<vmem>>
      %dma_start3A_78 = arith.constant 0 : i32
      %dma_start3A_79 = tpu.memref_slice %arg5[%add3A_74, %dma_start3A_78] : memref<50000x128xf32, #tpu.memory_space<hbm>> -> memref<504x128xf32, #tpu.memory_space<hbm>>
      %dma_start3A_80 = arith.constant 0 : i32
      %dma_start3A_81 = tpu.memref_slice %arg5[%add3A_74, %dma_start3A_80] : memref<50000x128xf32, #tpu.memory_space<hbm>> -> memref<504x128xf32, #tpu.memory_space<hbm>>
      %dma_start3A_82 = arith.constant 0 : i32
      %dma_start3A_83 = arith.constant 0 : i32
      %dma_start3A_84 = tpu.memref_slice %arg7[%dma_start3A_82, %dma_start3A_83] : memref<504x128xf32, #tpu.memory_space<vmem>> -> memref<504x128xf32, #tpu.memory_space<vmem>>
      tpu.enqueue_dma source(%dma_start3A_84 : memref<504x128xf32, #tpu.memory_space<vmem>>) target(%dma_start3A_81 : memref<504x128xf32, #tpu.memory_space<hbm>>) target_semaphore(%arg14 : memref<!tpu.dma_semaphore, #tpu.memory_space<semaphore_mem>>)
      %add3A_85 = arith.constant 1008 : i32
      %add3A_86 = arith.addi %mul3A_8, %add3A_85 : i32
      %dma_start3A_87 = arith.constant 0 : i32
      %dma_start3A_88 = arith.constant 0 : i32
      %dma_start3A_89 = tpu.memref_slice %arg7[%dma_start3A_87, %dma_start3A_88] : memref<504x128xf32, #tpu.memory_space<vmem>> -> memref<504x128xf32, #tpu.memory_space<vmem>>
      %dma_start3A_90 = arith.constant 0 : i32
      %dma_start3A_91 = tpu.memref_slice %arg3[%add3A_86, %dma_start3A_90] : memref<50000x128xf32, #tpu.memory_space<hbm>> -> memref<504x128xf32, #tpu.memory_space<hbm>>
      %dma_start3A_92 = arith.constant 0 : i32
      %dma_start3A_93 = arith.constant 0 : i32
      %dma_start3A_94 = tpu.memref_slice %arg7[%dma_start3A_92, %dma_start3A_93] : memref<504x128xf32, #tpu.memory_space<vmem>> -> memref<504x128xf32, #tpu.memory_space<vmem>>
      %dma_start3A_95 = arith.constant 0 : i32
      %dma_start3A_96 = tpu.memref_slice %arg3[%add3A_86, %dma_start3A_95] : memref<50000x128xf32, #tpu.memory_space<hbm>> -> memref<504x128xf32, #tpu.memory_space<hbm>>
      tpu.enqueue_dma source(%dma_start3A_96 : memref<504x128xf32, #tpu.memory_space<hbm>>) target(%dma_start3A_94 : memref<504x128xf32, #tpu.memory_space<vmem>>) target_semaphore(%arg10 : memref<!tpu.dma_semaphore, #tpu.memory_space<semaphore_mem>>)
      %dma_wait3A_97 = arith.constant 0 : i32
      %dma_wait3A_98 = arith.constant 0 : i32
      %dma_wait3A_99 = tpu.memref_slice %arg8[%dma_wait3A_97, %dma_wait3A_98] : memref<504x128xf32, #tpu.memory_space<vmem>> -> memref<504x128xf32, #tpu.memory_space<vmem>>
      %dma_wait3A_100 = arith.constant 0 : i32
      %dma_wait3A_101 = arith.constant 0 : i32
      %dma_wait3A_102 = tpu.memref_slice %arg3[%dma_wait3A_100, %dma_wait3A_101] : memref<50000x128xf32, #tpu.memory_space<hbm>> -> memref<504x128xf32, #tpu.memory_space<hbm>>
      %dma_wait3A_103 = arith.constant 0 : i32
      %dma_wait3A_104 = arith.constant 0 : i32
      %dma_wait3A_105 = tpu.memref_slice %arg8[%dma_wait3A_103, %dma_wait3A_104] : memref<504x128xf32, #tpu.memory_space<vmem>> -> memref<504x128xf32, #tpu.memory_space<vmem>>
      %dma_wait3A_106 = arith.constant 0 : i32
      %dma_wait3A_107 = arith.constant 0 : i32
      %dma_wait3A_108 = tpu.memref_slice %arg3[%dma_wait3A_106, %dma_wait3A_107] : memref<50000x128xf32, #tpu.memory_space<hbm>> -> memref<504x128xf32, #tpu.memory_space<hbm>>
      tpu.wait_dma2 semaphore(%arg11 : memref<!tpu.dma_semaphore, #tpu.memory_space<semaphore_mem>>) src(%dma_wait3A_108 : memref<504x128xf32, #tpu.memory_space<hbm>>) dst(%dma_wait3A_105 : memref<504x128xf32, #tpu.memory_space<vmem>>)
      %dma_start3A_109 = arith.constant 0 : i32
      %dma_start3A_110 = arith.constant 0 : i32
      %dma_start3A_111 = tpu.memref_slice %arg8[%dma_start3A_109, %dma_start3A_110] : memref<504x128xf32, #tpu.memory_space<vmem>> -> memref<504x128xf32, #tpu.memory_space<vmem>>
      %dma_start3A_112 = arith.constant 504 : i32
      %dma_start3A_113 = tpu.memref_slice %arg6[%dma_start3A_112] : memref<1568xi32, #tpu.memory_space<vmem>> -> memref<504xi32, #tpu.memory_space<vmem>>
      %dma_start3A_114 = arith.constant 0 : i32
      %dma_start3A_115 = arith.constant 0 : i32
      %dma_start3A_116 = tpu.memref_slice %arg2[%dma_start3A_114, %dma_start3A_115] : memref<100000x128xf32, #tpu.memory_space<hbm>> -> memref<100000x128xf32, #tpu.memory_space<hbm>>
      tpu.enqueue_indirect_dma source(%dma_start3A_116 : memref<100000x128xf32, #tpu.memory_space<hbm>>) target(%dma_start3A_111 : memref<504x128xf32, #tpu.memory_space<vmem>>) offsets(%dma_start3A_113 : memref<504xi32, #tpu.memory_space<vmem>>) semaphore(%arg13 : memref<!tpu.dma_semaphore, #tpu.memory_space<semaphore_mem>>) {add = true}
      %dma_wait3A_117 = arith.constant 0 : i32
      %dma_wait3A_118 = arith.constant 0 : i32
      %dma_wait3A_119 = tpu.memref_slice %arg8[%dma_wait3A_117, %dma_wait3A_118] : memref<504x128xf32, #tpu.memory_space<vmem>> -> memref<504x128xf32, #tpu.memory_space<vmem>>
      %dma_wait3A_120 = arith.constant 504 : i32
      %dma_wait3A_121 = tpu.memref_slice %arg6[%dma_wait3A_120] : memref<1568xi32, #tpu.memory_space<vmem>> -> memref<504xi32, #tpu.memory_space<vmem>>
      %dma_wait3A_122 = arith.constant 0 : i32
      %dma_wait3A_123 = arith.constant 0 : i32
      %dma_wait3A_124 = tpu.memref_slice %arg2[%dma_wait3A_122, %dma_wait3A_123] : memref<100000x128xf32, #tpu.memory_space<hbm>> -> memref<100000x128xf32, #tpu.memory_space<hbm>>
      tpu.wait_indirect_dma semaphore(%arg13 : memref<!tpu.dma_semaphore, #tpu.memory_space<semaphore_mem>>) src(%dma_wait3A_124 : memref<100000x128xf32, #tpu.memory_space<hbm>>) dst(%dma_wait3A_119 : memref<504x128xf32, #tpu.memory_space<vmem>>)
      %add3A_125 = arith.constant 504 : i32
      %add3A_126 = arith.addi %mul3A_8, %add3A_125 : i32
      %dma_start3A_127 = arith.constant 0 : i32
      %dma_start3A_128 = arith.constant 0 : i32
      %dma_start3A_129 = tpu.memref_slice %arg8[%dma_start3A_127, %dma_start3A_128] : memref<504x128xf32, #tpu.memory_space<vmem>> -> memref<504x128xf32, #tpu.memory_space<vmem>>
      %dma_start3A_130 = arith.constant 0 : i32
      %dma_start3A_131 = tpu.memref_slice %arg5[%add3A_126, %dma_start3A_130] : memref<50000x128xf32, #tpu.memory_space<hbm>> -> memref<504x128xf32, #tpu.memory_space<hbm>>
      %dma_start3A_132 = arith.constant 0 : i32
      %dma_start3A_133 = tpu.memref_slice %arg5[%add3A_126, %dma_start3A_132] : memref<50000x128xf32, #tpu.memory_space<hbm>> -> memref<504x128xf32, #tpu.memory_space<hbm>>
      %dma_start3A_134 = arith.constant 0 : i32
      %dma_start3A_135 = arith.constant 0 : i32
      %dma_start3A_136 = tpu.memref_slice %arg8[%dma_start3A_134, %dma_start3A_135] : memref<504x128xf32, #tpu.memory_space<vmem>> -> memref<504x128xf32, #tpu.memory_space<vmem>>
      tpu.enqueue_dma source(%dma_start3A_136 : memref<504x128xf32, #tpu.memory_space<vmem>>) target(%dma_start3A_133 : memref<504x128xf32, #tpu.memory_space<hbm>>) target_semaphore(%arg15 : memref<!tpu.dma_semaphore, #tpu.memory_space<semaphore_mem>>)
      %dma_wait3A_137 = arith.constant 0 : i32
      %dma_wait3A_138 = arith.constant 0 : i32
      %dma_wait3A_139 = tpu.memref_slice %arg7[%dma_wait3A_137, %dma_wait3A_138] : memref<504x128xf32, #tpu.memory_space<vmem>> -> memref<504x128xf32, #tpu.memory_space<vmem>>
      %dma_wait3A_140 = arith.constant 0 : i32
      %dma_wait3A_141 = arith.constant 0 : i32
      %dma_wait3A_142 = tpu.memref_slice %arg5[%dma_wait3A_140, %dma_wait3A_141] : memref<50000x128xf32, #tpu.memory_space<hbm>> -> memref<504x128xf32, #tpu.memory_space<hbm>>
      %dma_wait3A_143 = arith.constant 0 : i32
      %dma_wait3A_144 = arith.constant 0 : i32
      %dma_wait3A_145 = tpu.memref_slice %arg5[%dma_wait3A_143, %dma_wait3A_144] : memref<50000x128xf32, #tpu.memory_space<hbm>> -> memref<504x128xf32, #tpu.memory_space<hbm>>
      %dma_wait3A_146 = arith.constant 0 : i32
      %dma_wait3A_147 = arith.constant 0 : i32
      %dma_wait3A_148 = tpu.memref_slice %arg7[%dma_wait3A_146, %dma_wait3A_147] : memref<504x128xf32, #tpu.memory_space<vmem>> -> memref<504x128xf32, #tpu.memory_space<vmem>>
      tpu.wait_dma2 semaphore(%arg14 : memref<!tpu.dma_semaphore, #tpu.memory_space<semaphore_mem>>) src(%dma_wait3A_148 : memref<504x128xf32, #tpu.memory_space<vmem>>) dst(%dma_wait3A_145 : memref<504x128xf32, #tpu.memory_space<hbm>>)
      %add3A_149 = arith.constant 1512 : i32
      %add3A_150 = arith.addi %mul3A_8, %add3A_149 : i32
      %dma_start3A_151 = arith.constant 0 : i32
      %dma_start3A_152 = arith.constant 0 : i32
      %dma_start3A_153 = tpu.memref_slice %arg8[%dma_start3A_151, %dma_start3A_152] : memref<504x128xf32, #tpu.memory_space<vmem>> -> memref<56x128xf32, #tpu.memory_space<vmem>>
      %dma_start3A_154 = arith.constant 0 : i32
      %dma_start3A_155 = tpu.memref_slice %arg3[%add3A_150, %dma_start3A_154] : memref<50000x128xf32, #tpu.memory_space<hbm>> -> memref<56x128xf32, #tpu.memory_space<hbm>>
      %dma_start3A_156 = arith.constant 0 : i32
      %dma_start3A_157 = arith.constant 0 : i32
      %dma_start3A_158 = tpu.memref_slice %arg8[%dma_start3A_156, %dma_start3A_157] : memref<504x128xf32, #tpu.memory_space<vmem>> -> memref<56x128xf32, #tpu.memory_space<vmem>>
      %dma_start3A_159 = arith.constant 0 : i32
      %dma_start3A_160 = tpu.memref_slice %arg3[%add3A_150, %dma_start3A_159] : memref<50000x128xf32, #tpu.memory_space<hbm>> -> memref<56x128xf32, #tpu.memory_space<hbm>>
      tpu.enqueue_dma source(%dma_start3A_160 : memref<56x128xf32, #tpu.memory_space<hbm>>) target(%dma_start3A_158 : memref<56x128xf32, #tpu.memory_space<vmem>>) target_semaphore(%arg11 : memref<!tpu.dma_semaphore, #tpu.memory_space<semaphore_mem>>)
      %dma_wait3A_161 = arith.constant 0 : i32
      %dma_wait3A_162 = arith.constant 0 : i32
      %dma_wait3A_163 = tpu.memref_slice %arg7[%dma_wait3A_161, %dma_wait3A_162] : memref<504x128xf32, #tpu.memory_space<vmem>> -> memref<504x128xf32, #tpu.memory_space<vmem>>
      %dma_wait3A_164 = arith.constant 0 : i32
      %dma_wait3A_165 = arith.constant 0 : i32
      %dma_wait3A_166 = tpu.memref_slice %arg3[%dma_wait3A_164, %dma_wait3A_165] : memref<50000x128xf32, #tpu.memory_space<hbm>> -> memref<504x128xf32, #tpu.memory_space<hbm>>
      %dma_wait3A_167 = arith.constant 0 : i32
      %dma_wait3A_168 = arith.constant 0 : i32
      %dma_wait3A_169 = tpu.memref_slice %arg7[%dma_wait3A_167, %dma_wait3A_168] : memref<504x128xf32, #tpu.memory_space<vmem>> -> memref<504x128xf32, #tpu.memory_space<vmem>>
      %dma_wait3A_170 = arith.constant 0 : i32
      %dma_wait3A_171 = arith.constant 0 : i32
      %dma_wait3A_172 = tpu.memref_slice %arg3[%dma_wait3A_170, %dma_wait3A_171] : memref<50000x128xf32, #tpu.memory_space<hbm>> -> memref<504x128xf32, #tpu.memory_space<hbm>>
      tpu.wait_dma2 semaphore(%arg10 : memref<!tpu.dma_semaphore, #tpu.memory_space<semaphore_mem>>) src(%dma_wait3A_172 : memref<504x128xf32, #tpu.memory_space<hbm>>) dst(%dma_wait3A_169 : memref<504x128xf32, #tpu.memory_space<vmem>>)
      %dma_start3A_173 = arith.constant 0 : i32
      %dma_start3A_174 = arith.constant 0 : i32
      %dma_start3A_175 = tpu.memref_slice %arg7[%dma_start3A_173, %dma_start3A_174] : memref<504x128xf32, #tpu.memory_space<vmem>> -> memref<504x128xf32, #tpu.memory_space<vmem>>
      %dma_start3A_176 = arith.constant 1008 : i32
      %dma_start3A_177 = tpu.memref_slice %arg6[%dma_start3A_176] : memref<1568xi32, #tpu.memory_space<vmem>> -> memref<504xi32, #tpu.memory_space<vmem>>
      %dma_start3A_178 = arith.constant 0 : i32
      %dma_start3A_179 = arith.constant 0 : i32
      %dma_start3A_180 = tpu.memref_slice %arg2[%dma_start3A_178, %dma_start3A_179] : memref<100000x128xf32, #tpu.memory_space<hbm>> -> memref<100000x128xf32, #tpu.memory_space<hbm>>
      tpu.enqueue_indirect_dma source(%dma_start3A_180 : memref<100000x128xf32, #tpu.memory_space<hbm>>) target(%dma_start3A_175 : memref<504x128xf32, #tpu.memory_space<vmem>>) offsets(%dma_start3A_177 : memref<504xi32, #tpu.memory_space<vmem>>) semaphore(%arg12 : memref<!tpu.dma_semaphore, #tpu.memory_space<semaphore_mem>>) {add = true}
      %dma_wait3A_181 = arith.constant 0 : i32
      %dma_wait3A_182 = arith.constant 0 : i32
      %dma_wait3A_183 = tpu.memref_slice %arg7[%dma_wait3A_181, %dma_wait3A_182] : memref<504x128xf32, #tpu.memory_space<vmem>> -> memref<504x128xf32, #tpu.memory_space<vmem>>
      %dma_wait3A_184 = arith.constant 1008 : i32
      %dma_wait3A_185 = tpu.memref_slice %arg6[%dma_wait3A_184] : memref<1568xi32, #tpu.memory_space<vmem>> -> memref<504xi32, #tpu.memory_space<vmem>>
      %dma_wait3A_186 = arith.constant 0 : i32
      %dma_wait3A_187 = arith.constant 0 : i32
      %dma_wait3A_188 = tpu.memref_slice %arg2[%dma_wait3A_186, %dma_wait3A_187] : memref<100000x128xf32, #tpu.memory_space<hbm>> -> memref<100000x128xf32, #tpu.memory_space<hbm>>
      tpu.wait_indirect_dma semaphore(%arg12 : memref<!tpu.dma_semaphore, #tpu.memory_space<semaphore_mem>>) src(%dma_wait3A_188 : memref<100000x128xf32, #tpu.memory_space<hbm>>) dst(%dma_wait3A_183 : memref<504x128xf32, #tpu.memory_space<vmem>>)
      %add3A_189 = arith.constant 1008 : i32
      %add3A_190 = arith.addi %mul3A_8, %add3A_189 : i32
      %dma_start3A_191 = arith.constant 0 : i32
      %dma_start3A_192 = arith.constant 0 : i32
      %dma_start3A_193 = tpu.memref_slice %arg7[%dma_start3A_191, %dma_start3A_192] : memref<504x128xf32, #tpu.memory_space<vmem>> -> memref<504x128xf32, #tpu.memory_space<vmem>>
      %dma_start3A_194 = arith.constant 0 : i32
      %dma_start3A_195 = tpu.memref_slice %arg5[%add3A_190, %dma_start3A_194] : memref<50000x128xf32, #tpu.memory_space<hbm>> -> memref<504x128xf32, #tpu.memory_space<hbm>>
      %dma_start3A_196 = arith.constant 0 : i32
      %dma_start3A_197 = tpu.memref_slice %arg5[%add3A_190, %dma_start3A_196] : memref<50000x128xf32, #tpu.memory_space<hbm>> -> memref<504x128xf32, #tpu.memory_space<hbm>>
      %dma_start3A_198 = arith.constant 0 : i32
      %dma_start3A_199 = arith.constant 0 : i32
      %dma_start3A_200 = tpu.memref_slice %arg7[%dma_start3A_198, %dma_start3A_199] : memref<504x128xf32, #tpu.memory_space<vmem>> -> memref<504x128xf32, #tpu.memory_space<vmem>>
      tpu.enqueue_dma source(%dma_start3A_200 : memref<504x128xf32, #tpu.memory_space<vmem>>) target(%dma_start3A_197 : memref<504x128xf32, #tpu.memory_space<hbm>>) target_semaphore(%arg14 : memref<!tpu.dma_semaphore, #tpu.memory_space<semaphore_mem>>)
      %dma_wait3A_201 = arith.constant 0 : i32
      %dma_wait3A_202 = arith.constant 0 : i32
      %dma_wait3A_203 = tpu.memref_slice %arg8[%dma_wait3A_201, %dma_wait3A_202] : memref<504x128xf32, #tpu.memory_space<vmem>> -> memref<504x128xf32, #tpu.memory_space<vmem>>
      %dma_wait3A_204 = arith.constant 0 : i32
      %dma_wait3A_205 = arith.constant 0 : i32
      %dma_wait3A_206 = tpu.memref_slice %arg5[%dma_wait3A_204, %dma_wait3A_205] : memref<50000x128xf32, #tpu.memory_space<hbm>> -> memref<504x128xf32, #tpu.memory_space<hbm>>
      %dma_wait3A_207 = arith.constant 0 : i32
      %dma_wait3A_208 = arith.constant 0 : i32
      %dma_wait3A_209 = tpu.memref_slice %arg5[%dma_wait3A_207, %dma_wait3A_208] : memref<50000x128xf32, #tpu.memory_space<hbm>> -> memref<504x128xf32, #tpu.memory_space<hbm>>
      %dma_wait3A_210 = arith.constant 0 : i32
      %dma_wait3A_211 = arith.constant 0 : i32
      %dma_wait3A_212 = tpu.memref_slice %arg8[%dma_wait3A_210, %dma_wait3A_211] : memref<504x128xf32, #tpu.memory_space<vmem>> -> memref<504x128xf32, #tpu.memory_space<vmem>>
      tpu.wait_dma2 semaphore(%arg15 : memref<!tpu.dma_semaphore, #tpu.memory_space<semaphore_mem>>) src(%dma_wait3A_212 : memref<504x128xf32, #tpu.memory_space<vmem>>) dst(%dma_wait3A_209 : memref<504x128xf32, #tpu.memory_space<hbm>>)
      %dma_wait3A_213 = arith.constant 0 : i32
      %dma_wait3A_214 = arith.constant 0 : i32
      %dma_wait3A_215 = tpu.memref_slice %arg8[%dma_wait3A_213, %dma_wait3A_214] : memref<504x128xf32, #tpu.memory_space<vmem>> -> memref<56x128xf32, #tpu.memory_space<vmem>>
      %dma_wait3A_216 = arith.constant 0 : i32
      %dma_wait3A_217 = arith.constant 0 : i32
      %dma_wait3A_218 = tpu.memref_slice %arg3[%dma_wait3A_216, %dma_wait3A_217] : memref<50000x128xf32, #tpu.memory_space<hbm>> -> memref<56x128xf32, #tpu.memory_space<hbm>>
      %dma_wait3A_219 = arith.constant 0 : i32
      %dma_wait3A_220 = arith.constant 0 : i32
      %dma_wait3A_221 = tpu.memref_slice %arg8[%dma_wait3A_219, %dma_wait3A_220] : memref<504x128xf32, #tpu.memory_space<vmem>> -> memref<56x128xf32, #tpu.memory_space<vmem>>
      %dma_wait3A_222 = arith.constant 0 : i32
      %dma_wait3A_223 = arith.constant 0 : i32
      %dma_wait3A_224 = tpu.memref_slice %arg3[%dma_wait3A_222, %dma_wait3A_223] : memref<50000x128xf32, #tpu.memory_space<hbm>> -> memref<56x128xf32, #tpu.memory_space<hbm>>
      tpu.wait_dma2 semaphore(%arg11 : memref<!tpu.dma_semaphore, #tpu.memory_space<semaphore_mem>>) src(%dma_wait3A_224 : memref<56x128xf32, #tpu.memory_space<hbm>>) dst(%dma_wait3A_221 : memref<56x128xf32, #tpu.memory_space<vmem>>)
      %dma_start3A_225 = arith.constant 0 : i32
      %dma_start3A_226 = arith.constant 0 : i32
      %dma_start3A_227 = tpu.memref_slice %arg8[%dma_start3A_225, %dma_start3A_226] : memref<504x128xf32, #tpu.memory_space<vmem>> -> memref<56x128xf32, #tpu.memory_space<vmem>>
      %dma_start3A_228 = arith.constant 1512 : i32
      %dma_start3A_229 = tpu.memref_slice %arg6[%dma_start3A_228] : memref<1568xi32, #tpu.memory_space<vmem>> -> memref<56xi32, #tpu.memory_space<vmem>>
      %dma_start3A_230 = arith.constant 0 : i32
      %dma_start3A_231 = arith.constant 0 : i32
      %dma_start3A_232 = tpu.memref_slice %arg2[%dma_start3A_230, %dma_start3A_231] : memref<100000x128xf32, #tpu.memory_space<hbm>> -> memref<100000x128xf32, #tpu.memory_space<hbm>>
      tpu.enqueue_indirect_dma source(%dma_start3A_232 : memref<100000x128xf32, #tpu.memory_space<hbm>>) target(%dma_start3A_227 : memref<56x128xf32, #tpu.memory_space<vmem>>) offsets(%dma_start3A_229 : memref<56xi32, #tpu.memory_space<vmem>>) semaphore(%arg13 : memref<!tpu.dma_semaphore, #tpu.memory_space<semaphore_mem>>) {add = true}
      %dma_wait3A_233 = arith.constant 0 : i32
      %dma_wait3A_234 = arith.constant 0 : i32
      %dma_wait3A_235 = tpu.memref_slice %arg8[%dma_wait3A_233, %dma_wait3A_234] : memref<504x128xf32, #tpu.memory_space<vmem>> -> memref<56x128xf32, #tpu.memory_space<vmem>>
      %dma_wait3A_236 = arith.constant 1512 : i32
      %dma_wait3A_237 = tpu.memref_slice %arg6[%dma_wait3A_236] : memref<1568xi32, #tpu.memory_space<vmem>> -> memref<56xi32, #tpu.memory_space<vmem>>
      %dma_wait3A_238 = arith.constant 0 : i32
      %dma_wait3A_239 = arith.constant 0 : i32
      %dma_wait3A_240 = tpu.memref_slice %arg2[%dma_wait3A_238, %dma_wait3A_239] : memref<100000x128xf32, #tpu.memory_space<hbm>> -> memref<100000x128xf32, #tpu.memory_space<hbm>>
      tpu.wait_indirect_dma semaphore(%arg13 : memref<!tpu.dma_semaphore, #tpu.memory_space<semaphore_mem>>) src(%dma_wait3A_240 : memref<100000x128xf32, #tpu.memory_space<hbm>>) dst(%dma_wait3A_235 : memref<56x128xf32, #tpu.memory_space<vmem>>)
      %add3A_241 = arith.constant 1512 : i32
      %add3A_242 = arith.addi %mul3A_8, %add3A_241 : i32
      %dma_start3A_243 = arith.constant 0 : i32
      %dma_start3A_244 = arith.constant 0 : i32
      %dma_start3A_245 = tpu.memref_slice %arg8[%dma_start3A_243, %dma_start3A_244] : memref<504x128xf32, #tpu.memory_space<vmem>> -> memref<56x128xf32, #tpu.memory_space<vmem>>
      %dma_start3A_246 = arith.constant 0 : i32
      %dma_start3A_247 = tpu.memref_slice %arg5[%add3A_242, %dma_start3A_246] : memref<50000x128xf32, #tpu.memory_space<hbm>> -> memref<56x128xf32, #tpu.memory_space<hbm>>
      %dma_start3A_248 = arith.constant 0 : i32
      %dma_start3A_249 = tpu.memref_slice %arg5[%add3A_242, %dma_start3A_248] : memref<50000x128xf32, #tpu.memory_space<hbm>> -> memref<56x128xf32, #tpu.memory_space<hbm>>
      %dma_start3A_250 = arith.constant 0 : i32
      %dma_start3A_251 = arith.constant 0 : i32
      %dma_start3A_252 = tpu.memref_slice %arg8[%dma_start3A_250, %dma_start3A_251] : memref<504x128xf32, #tpu.memory_space<vmem>> -> memref<56x128xf32, #tpu.memory_space<vmem>>
      tpu.enqueue_dma source(%dma_start3A_252 : memref<56x128xf32, #tpu.memory_space<vmem>>) target(%dma_start3A_249 : memref<56x128xf32, #tpu.memory_space<hbm>>) target_semaphore(%arg15 : memref<!tpu.dma_semaphore, #tpu.memory_space<semaphore_mem>>)
      %dma_wait3A_253 = arith.constant 0 : i32
      %dma_wait3A_254 = arith.constant 0 : i32
      %dma_wait3A_255 = tpu.memref_slice %arg7[%dma_wait3A_253, %dma_wait3A_254] : memref<504x128xf32, #tpu.memory_space<vmem>> -> memref<504x128xf32, #tpu.memory_space<vmem>>
      %dma_wait3A_256 = arith.constant 0 : i32
      %dma_wait3A_257 = arith.constant 0 : i32
      %dma_wait3A_258 = tpu.memref_slice %arg5[%dma_wait3A_256, %dma_wait3A_257] : memref<50000x128xf32, #tpu.memory_space<hbm>> -> memref<504x128xf32, #tpu.memory_space<hbm>>
      %dma_wait3A_259 = arith.constant 0 : i32
      %dma_wait3A_260 = arith.constant 0 : i32
      %dma_wait3A_261 = tpu.memref_slice %arg5[%dma_wait3A_259, %dma_wait3A_260] : memref<50000x128xf32, #tpu.memory_space<hbm>> -> memref<504x128xf32, #tpu.memory_space<hbm>>
      %dma_wait3A_262 = arith.constant 0 : i32
      %dma_wait3A_263 = arith.constant 0 : i32
      %dma_wait3A_264 = tpu.memref_slice %arg7[%dma_wait3A_262, %dma_wait3A_263] : memref<504x128xf32, #tpu.memory_space<vmem>> -> memref<504x128xf32, #tpu.memory_space<vmem>>
      tpu.wait_dma2 semaphore(%arg14 : memref<!tpu.dma_semaphore, #tpu.memory_space<semaphore_mem>>) src(%dma_wait3A_264 : memref<504x128xf32, #tpu.memory_space<vmem>>) dst(%dma_wait3A_261 : memref<504x128xf32, #tpu.memory_space<hbm>>)
      %dma_wait3A_265 = arith.constant 0 : i32
      %dma_wait3A_266 = arith.constant 0 : i32
      %dma_wait3A_267 = tpu.memref_slice %arg8[%dma_wait3A_265, %dma_wait3A_266] : memref<504x128xf32, #tpu.memory_space<vmem>> -> memref<56x128xf32, #tpu.memory_space<vmem>>
      %dma_wait3A_268 = arith.constant 0 : i32
      %dma_wait3A_269 = arith.constant 0 : i32
      %dma_wait3A_270 = tpu.memref_slice %arg5[%dma_wait3A_268, %dma_wait3A_269] : memref<50000x128xf32, #tpu.memory_space<hbm>> -> memref<56x128xf32, #tpu.memory_space<hbm>>
      %dma_wait3A_271 = arith.constant 0 : i32
      %dma_wait3A_272 = arith.constant 0 : i32
      %dma_wait3A_273 = tpu.memref_slice %arg5[%dma_wait3A_271, %dma_wait3A_272] : memref<50000x128xf32, #tpu.memory_space<hbm>> -> memref<56x128xf32, #tpu.memory_space<hbm>>
      %dma_wait3A_274 = arith.constant 0 : i32
      %dma_wait3A_275 = arith.constant 0 : i32
      %dma_wait3A_276 = tpu.memref_slice %arg8[%dma_wait3A_274, %dma_wait3A_275] : memref<504x128xf32, #tpu.memory_space<vmem>> -> memref<56x128xf32, #tpu.memory_space<vmem>>
      tpu.wait_dma2 semaphore(%arg15 : memref<!tpu.dma_semaphore, #tpu.memory_space<semaphore_mem>>) src(%dma_wait3A_276 : memref<56x128xf32, #tpu.memory_space<vmem>>) dst(%dma_wait3A_273 : memref<56x128xf32, #tpu.memory_space<hbm>>)
    } else {
    }
    %ge3A = arith.constant 30 : i32
    %ge3A_3 = arith.cmpi sge, %add3A, %ge3A : i32
    %convert_element_type3A_4 = arith.extui %ge3A_3 : i1 to i32
    %cond3A_5 = arith.constant 0 : i32
    %cond3A_6 = arith.cmpi ne, %convert_element_type3A_4, %cond3A_5 : i32
    scf.if %cond3A_6 {
      %sub3A = arith.constant 30 : i32
      %sub3A_7 = arith.subi %add3A, %sub3A : i32
      %mul3A_8 = arith.constant 1480 : i32
      %mul3A_9 = arith.muli %sub3A_7, %mul3A_8 : i32
      %add3A_10 = arith.constant 47040 : i32
      %add3A_11 = arith.addi %add3A_10, %mul3A_9 : i32
      %dma_start3A = arith.constant 0 : i32
      %dma_start3A_12 = tpu.memref_slice %arg6[%dma_start3A] : memref<1568xi32, #tpu.memory_space<vmem>> -> memref<1480xi32, #tpu.memory_space<vmem>>
      %dma_start3A_13 = tpu.memref_slice %arg4[%add3A_11] : memref<50000xi32, #tpu.memory_space<hbm>> -> memref<1480xi32, #tpu.memory_space<hbm>>
      %dma_start3A_14 = arith.constant 0 : i32
      %dma_start3A_15 = tpu.memref_slice %arg6[%dma_start3A_14] : memref<1568xi32, #tpu.memory_space<vmem>> -> memref<1480xi32, #tpu.memory_space<vmem>>
      %dma_start3A_16 = tpu.memref_slice %arg4[%add3A_11] : memref<50000xi32, #tpu.memory_space<hbm>> -> memref<1480xi32, #tpu.memory_space<hbm>>
      tpu.enqueue_dma source(%dma_start3A_16 : memref<1480xi32, #tpu.memory_space<hbm>>) target(%dma_start3A_15 : memref<1480xi32, #tpu.memory_space<vmem>>) target_semaphore(%arg9 : memref<!tpu.dma_semaphore, #tpu.memory_space<semaphore_mem>>)
      %add3A_17 = arith.constant 0 : i32
      %add3A_18 = arith.addi %add3A_11, %add3A_17 : i32
      %dma_start3A_19 = arith.constant 0 : i32
      %dma_start3A_20 = arith.constant 0 : i32
      %dma_start3A_21 = tpu.memref_slice %arg7[%dma_start3A_19, %dma_start3A_20] : memref<504x128xf32, #tpu.memory_space<vmem>> -> memref<504x128xf32, #tpu.memory_space<vmem>>
      %dma_start3A_22 = arith.constant 0 : i32
      %dma_start3A_23 = tpu.memref_slice %arg3[%add3A_18, %dma_start3A_22] : memref<50000x128xf32, #tpu.memory_space<hbm>> -> memref<504x128xf32, #tpu.memory_space<hbm>>
      %dma_start3A_24 = arith.constant 0 : i32
      %dma_start3A_25 = arith.constant 0 : i32
      %dma_start3A_26 = tpu.memref_slice %arg7[%dma_start3A_24, %dma_start3A_25] : memref<504x128xf32, #tpu.memory_space<vmem>> -> memref<504x128xf32, #tpu.memory_space<vmem>>
      %dma_start3A_27 = arith.constant 0 : i32
      %dma_start3A_28 = tpu.memref_slice %arg3[%add3A_18, %dma_start3A_27] : memref<50000x128xf32, #tpu.memory_space<hbm>> -> memref<504x128xf32, #tpu.memory_space<hbm>>
      tpu.enqueue_dma source(%dma_start3A_28 : memref<504x128xf32, #tpu.memory_space<hbm>>) target(%dma_start3A_26 : memref<504x128xf32, #tpu.memory_space<vmem>>) target_semaphore(%arg10 : memref<!tpu.dma_semaphore, #tpu.memory_space<semaphore_mem>>)
      %add3A_29 = arith.constant 504 : i32
      %add3A_30 = arith.addi %add3A_11, %add3A_29 : i32
      %dma_start3A_31 = arith.constant 0 : i32
      %dma_start3A_32 = arith.constant 0 : i32
      %dma_start3A_33 = tpu.memref_slice %arg8[%dma_start3A_31, %dma_start3A_32] : memref<504x128xf32, #tpu.memory_space<vmem>> -> memref<504x128xf32, #tpu.memory_space<vmem>>
      %dma_start3A_34 = arith.constant 0 : i32
      %dma_start3A_35 = tpu.memref_slice %arg3[%add3A_30, %dma_start3A_34] : memref<50000x128xf32, #tpu.memory_space<hbm>> -> memref<504x128xf32, #tpu.memory_space<hbm>>
      %dma_start3A_36 = arith.constant 0 : i32
      %dma_start3A_37 = arith.constant 0 : i32
      %dma_start3A_38 = tpu.memref_slice %arg8[%dma_start3A_36, %dma_start3A_37] : memref<504x128xf32, #tpu.memory_space<vmem>> -> memref<504x128xf32, #tpu.memory_space<vmem>>
      %dma_start3A_39 = arith.constant 0 : i32
      %dma_start3A_40 = tpu.memref_slice %arg3[%add3A_30, %dma_start3A_39] : memref<50000x128xf32, #tpu.memory_space<hbm>> -> memref<504x128xf32, #tpu.memory_space<hbm>>
      tpu.enqueue_dma source(%dma_start3A_40 : memref<504x128xf32, #tpu.memory_space<hbm>>) target(%dma_start3A_38 : memref<504x128xf32, #tpu.memory_space<vmem>>) target_semaphore(%arg11 : memref<!tpu.dma_semaphore, #tpu.memory_space<semaphore_mem>>)
      %dma_wait3A = arith.constant 0 : i32
      %dma_wait3A_41 = tpu.memref_slice %arg6[%dma_wait3A] : memref<1568xi32, #tpu.memory_space<vmem>> -> memref<1480xi32, #tpu.memory_space<vmem>>
      %dma_wait3A_42 = arith.constant 0 : i32
      %dma_wait3A_43 = tpu.memref_slice %arg4[%dma_wait3A_42] : memref<50000xi32, #tpu.memory_space<hbm>> -> memref<1480xi32, #tpu.memory_space<hbm>>
      %dma_wait3A_44 = arith.constant 0 : i32
      %dma_wait3A_45 = tpu.memref_slice %arg6[%dma_wait3A_44] : memref<1568xi32, #tpu.memory_space<vmem>> -> memref<1480xi32, #tpu.memory_space<vmem>>
      %dma_wait3A_46 = arith.constant 0 : i32
      %dma_wait3A_47 = tpu.memref_slice %arg4[%dma_wait3A_46] : memref<50000xi32, #tpu.memory_space<hbm>> -> memref<1480xi32, #tpu.memory_space<hbm>>
      tpu.wait_dma2 semaphore(%arg9 : memref<!tpu.dma_semaphore, #tpu.memory_space<semaphore_mem>>) src(%dma_wait3A_47 : memref<1480xi32, #tpu.memory_space<hbm>>) dst(%dma_wait3A_45 : memref<1480xi32, #tpu.memory_space<vmem>>)
      %dma_wait3A_48 = arith.constant 0 : i32
      %dma_wait3A_49 = arith.constant 0 : i32
      %dma_wait3A_50 = tpu.memref_slice %arg7[%dma_wait3A_48, %dma_wait3A_49] : memref<504x128xf32, #tpu.memory_space<vmem>> -> memref<504x128xf32, #tpu.memory_space<vmem>>
      %dma_wait3A_51 = arith.constant 0 : i32
      %dma_wait3A_52 = arith.constant 0 : i32
      %dma_wait3A_53 = tpu.memref_slice %arg3[%dma_wait3A_51, %dma_wait3A_52] : memref<50000x128xf32, #tpu.memory_space<hbm>> -> memref<504x128xf32, #tpu.memory_space<hbm>>
      %dma_wait3A_54 = arith.constant 0 : i32
      %dma_wait3A_55 = arith.constant 0 : i32
      %dma_wait3A_56 = tpu.memref_slice %arg7[%dma_wait3A_54, %dma_wait3A_55] : memref<504x128xf32, #tpu.memory_space<vmem>> -> memref<504x128xf32, #tpu.memory_space<vmem>>
      %dma_wait3A_57 = arith.constant 0 : i32
      %dma_wait3A_58 = arith.constant 0 : i32
      %dma_wait3A_59 = tpu.memref_slice %arg3[%dma_wait3A_57, %dma_wait3A_58] : memref<50000x128xf32, #tpu.memory_space<hbm>> -> memref<504x128xf32, #tpu.memory_space<hbm>>
      tpu.wait_dma2 semaphore(%arg10 : memref<!tpu.dma_semaphore, #tpu.memory_space<semaphore_mem>>) src(%dma_wait3A_59 : memref<504x128xf32, #tpu.memory_space<hbm>>) dst(%dma_wait3A_56 : memref<504x128xf32, #tpu.memory_space<vmem>>)
      %dma_start3A_60 = arith.constant 0 : i32
      %dma_start3A_61 = arith.constant 0 : i32
      %dma_start3A_62 = tpu.memref_slice %arg7[%dma_start3A_60, %dma_start3A_61] : memref<504x128xf32, #tpu.memory_space<vmem>> -> memref<504x128xf32, #tpu.memory_space<vmem>>
      %dma_start3A_63 = arith.constant 0 : i32
      %dma_start3A_64 = tpu.memref_slice %arg6[%dma_start3A_63] : memref<1568xi32, #tpu.memory_space<vmem>> -> memref<504xi32, #tpu.memory_space<vmem>>
      %dma_start3A_65 = arith.constant 0 : i32
      %dma_start3A_66 = arith.constant 0 : i32
      %dma_start3A_67 = tpu.memref_slice %arg2[%dma_start3A_65, %dma_start3A_66] : memref<100000x128xf32, #tpu.memory_space<hbm>> -> memref<100000x128xf32, #tpu.memory_space<hbm>>
      tpu.enqueue_indirect_dma source(%dma_start3A_67 : memref<100000x128xf32, #tpu.memory_space<hbm>>) target(%dma_start3A_62 : memref<504x128xf32, #tpu.memory_space<vmem>>) offsets(%dma_start3A_64 : memref<504xi32, #tpu.memory_space<vmem>>) semaphore(%arg12 : memref<!tpu.dma_semaphore, #tpu.memory_space<semaphore_mem>>) {add = true}
      %dma_wait3A_68 = arith.constant 0 : i32
      %dma_wait3A_69 = arith.constant 0 : i32
      %dma_wait3A_70 = tpu.memref_slice %arg7[%dma_wait3A_68, %dma_wait3A_69] : memref<504x128xf32, #tpu.memory_space<vmem>> -> memref<504x128xf32, #tpu.memory_space<vmem>>
      %dma_wait3A_71 = arith.constant 0 : i32
      %dma_wait3A_72 = tpu.memref_slice %arg6[%dma_wait3A_71] : memref<1568xi32, #tpu.memory_space<vmem>> -> memref<504xi32, #tpu.memory_space<vmem>>
      %dma_wait3A_73 = arith.constant 0 : i32
      %dma_wait3A_74 = arith.constant 0 : i32
      %dma_wait3A_75 = tpu.memref_slice %arg2[%dma_wait3A_73, %dma_wait3A_74] : memref<100000x128xf32, #tpu.memory_space<hbm>> -> memref<100000x128xf32, #tpu.memory_space<hbm>>
      tpu.wait_indirect_dma semaphore(%arg12 : memref<!tpu.dma_semaphore, #tpu.memory_space<semaphore_mem>>) src(%dma_wait3A_75 : memref<100000x128xf32, #tpu.memory_space<hbm>>) dst(%dma_wait3A_70 : memref<504x128xf32, #tpu.memory_space<vmem>>)
      %add3A_76 = arith.constant 0 : i32
      %add3A_77 = arith.addi %add3A_11, %add3A_76 : i32
      %dma_start3A_78 = arith.constant 0 : i32
      %dma_start3A_79 = arith.constant 0 : i32
      %dma_start3A_80 = tpu.memref_slice %arg7[%dma_start3A_78, %dma_start3A_79] : memref<504x128xf32, #tpu.memory_space<vmem>> -> memref<504x128xf32, #tpu.memory_space<vmem>>
      %dma_start3A_81 = arith.constant 0 : i32
      %dma_start3A_82 = tpu.memref_slice %arg5[%add3A_77, %dma_start3A_81] : memref<50000x128xf32, #tpu.memory_space<hbm>> -> memref<504x128xf32, #tpu.memory_space<hbm>>
      %dma_start3A_83 = arith.constant 0 : i32
      %dma_start3A_84 = tpu.memref_slice %arg5[%add3A_77, %dma_start3A_83] : memref<50000x128xf32, #tpu.memory_space<hbm>> -> memref<504x128xf32, #tpu.memory_space<hbm>>
      %dma_start3A_85 = arith.constant 0 : i32
      %dma_start3A_86 = arith.constant 0 : i32
      %dma_start3A_87 = tpu.memref_slice %arg7[%dma_start3A_85, %dma_start3A_86] : memref<504x128xf32, #tpu.memory_space<vmem>> -> memref<504x128xf32, #tpu.memory_space<vmem>>
      tpu.enqueue_dma source(%dma_start3A_87 : memref<504x128xf32, #tpu.memory_space<vmem>>) target(%dma_start3A_84 : memref<504x128xf32, #tpu.memory_space<hbm>>) target_semaphore(%arg14 : memref<!tpu.dma_semaphore, #tpu.memory_space<semaphore_mem>>)
      %add3A_88 = arith.constant 1008 : i32
      %add3A_89 = arith.addi %add3A_11, %add3A_88 : i32
      %dma_start3A_90 = arith.constant 0 : i32
      %dma_start3A_91 = arith.constant 0 : i32
      %dma_start3A_92 = tpu.memref_slice %arg7[%dma_start3A_90, %dma_start3A_91] : memref<504x128xf32, #tpu.memory_space<vmem>> -> memref<472x128xf32, #tpu.memory_space<vmem>>
      %dma_start3A_93 = arith.constant 0 : i32
      %dma_start3A_94 = tpu.memref_slice %arg3[%add3A_89, %dma_start3A_93] : memref<50000x128xf32, #tpu.memory_space<hbm>> -> memref<472x128xf32, #tpu.memory_space<hbm>>
      %dma_start3A_95 = arith.constant 0 : i32
      %dma_start3A_96 = arith.constant 0 : i32
      %dma_start3A_97 = tpu.memref_slice %arg7[%dma_start3A_95, %dma_start3A_96] : memref<504x128xf32, #tpu.memory_space<vmem>> -> memref<472x128xf32, #tpu.memory_space<vmem>>
      %dma_start3A_98 = arith.constant 0 : i32
      %dma_start3A_99 = tpu.memref_slice %arg3[%add3A_89, %dma_start3A_98] : memref<50000x128xf32, #tpu.memory_space<hbm>> -> memref<472x128xf32, #tpu.memory_space<hbm>>
      tpu.enqueue_dma source(%dma_start3A_99 : memref<472x128xf32, #tpu.memory_space<hbm>>) target(%dma_start3A_97 : memref<472x128xf32, #tpu.memory_space<vmem>>) target_semaphore(%arg10 : memref<!tpu.dma_semaphore, #tpu.memory_space<semaphore_mem>>)
      %dma_wait3A_100 = arith.constant 0 : i32
      %dma_wait3A_101 = arith.constant 0 : i32
      %dma_wait3A_102 = tpu.memref_slice %arg8[%dma_wait3A_100, %dma_wait3A_101] : memref<504x128xf32, #tpu.memory_space<vmem>> -> memref<504x128xf32, #tpu.memory_space<vmem>>
      %dma_wait3A_103 = arith.constant 0 : i32
      %dma_wait3A_104 = arith.constant 0 : i32
      %dma_wait3A_105 = tpu.memref_slice %arg3[%dma_wait3A_103, %dma_wait3A_104] : memref<50000x128xf32, #tpu.memory_space<hbm>> -> memref<504x128xf32, #tpu.memory_space<hbm>>
      %dma_wait3A_106 = arith.constant 0 : i32
      %dma_wait3A_107 = arith.constant 0 : i32
      %dma_wait3A_108 = tpu.memref_slice %arg8[%dma_wait3A_106, %dma_wait3A_107] : memref<504x128xf32, #tpu.memory_space<vmem>> -> memref<504x128xf32, #tpu.memory_space<vmem>>
      %dma_wait3A_109 = arith.constant 0 : i32
      %dma_wait3A_110 = arith.constant 0 : i32
      %dma_wait3A_111 = tpu.memref_slice %arg3[%dma_wait3A_109, %dma_wait3A_110] : memref<50000x128xf32, #tpu.memory_space<hbm>> -> memref<504x128xf32, #tpu.memory_space<hbm>>
      tpu.wait_dma2 semaphore(%arg11 : memref<!tpu.dma_semaphore, #tpu.memory_space<semaphore_mem>>) src(%dma_wait3A_111 : memref<504x128xf32, #tpu.memory_space<hbm>>) dst(%dma_wait3A_108 : memref<504x128xf32, #tpu.memory_space<vmem>>)
      %dma_start3A_112 = arith.constant 0 : i32
      %dma_start3A_113 = arith.constant 0 : i32
      %dma_start3A_114 = tpu.memref_slice %arg8[%dma_start3A_112, %dma_start3A_113] : memref<504x128xf32, #tpu.memory_space<vmem>> -> memref<504x128xf32, #tpu.memory_space<vmem>>
      %dma_start3A_115 = arith.constant 504 : i32
      %dma_start3A_116 = tpu.memref_slice %arg6[%dma_start3A_115] : memref<1568xi32, #tpu.memory_space<vmem>> -> memref<504xi32, #tpu.memory_space<vmem>>
      %dma_start3A_117 = arith.constant 0 : i32
      %dma_start3A_118 = arith.constant 0 : i32
      %dma_start3A_119 = tpu.memref_slice %arg2[%dma_start3A_117, %dma_start3A_118] : memref<100000x128xf32, #tpu.memory_space<hbm>> -> memref<100000x128xf32, #tpu.memory_space<hbm>>
      tpu.enqueue_indirect_dma source(%dma_start3A_119 : memref<100000x128xf32, #tpu.memory_space<hbm>>) target(%dma_start3A_114 : memref<504x128xf32, #tpu.memory_space<vmem>>) offsets(%dma_start3A_116 : memref<504xi32, #tpu.memory_space<vmem>>) semaphore(%arg13 : memref<!tpu.dma_semaphore, #tpu.memory_space<semaphore_mem>>) {add = true}
      %dma_wait3A_120 = arith.constant 0 : i32
      %dma_wait3A_121 = arith.constant 0 : i32
      %dma_wait3A_122 = tpu.memref_slice %arg8[%dma_wait3A_120, %dma_wait3A_121] : memref<504x128xf32, #tpu.memory_space<vmem>> -> memref<504x128xf32, #tpu.memory_space<vmem>>
      %dma_wait3A_123 = arith.constant 504 : i32
      %dma_wait3A_124 = tpu.memref_slice %arg6[%dma_wait3A_123] : memref<1568xi32, #tpu.memory_space<vmem>> -> memref<504xi32, #tpu.memory_space<vmem>>
      %dma_wait3A_125 = arith.constant 0 : i32
      %dma_wait3A_126 = arith.constant 0 : i32
      %dma_wait3A_127 = tpu.memref_slice %arg2[%dma_wait3A_125, %dma_wait3A_126] : memref<100000x128xf32, #tpu.memory_space<hbm>> -> memref<100000x128xf32, #tpu.memory_space<hbm>>
      tpu.wait_indirect_dma semaphore(%arg13 : memref<!tpu.dma_semaphore, #tpu.memory_space<semaphore_mem>>) src(%dma_wait3A_127 : memref<100000x128xf32, #tpu.memory_space<hbm>>) dst(%dma_wait3A_122 : memref<504x128xf32, #tpu.memory_space<vmem>>)
      %add3A_128 = arith.constant 504 : i32
      %add3A_129 = arith.addi %add3A_11, %add3A_128 : i32
      %dma_start3A_130 = arith.constant 0 : i32
      %dma_start3A_131 = arith.constant 0 : i32
      %dma_start3A_132 = tpu.memref_slice %arg8[%dma_start3A_130, %dma_start3A_131] : memref<504x128xf32, #tpu.memory_space<vmem>> -> memref<504x128xf32, #tpu.memory_space<vmem>>
      %dma_start3A_133 = arith.constant 0 : i32
      %dma_start3A_134 = tpu.memref_slice %arg5[%add3A_129, %dma_start3A_133] : memref<50000x128xf32, #tpu.memory_space<hbm>> -> memref<504x128xf32, #tpu.memory_space<hbm>>
      %dma_start3A_135 = arith.constant 0 : i32
      %dma_start3A_136 = tpu.memref_slice %arg5[%add3A_129, %dma_start3A_135] : memref<50000x128xf32, #tpu.memory_space<hbm>> -> memref<504x128xf32, #tpu.memory_space<hbm>>
      %dma_start3A_137 = arith.constant 0 : i32
      %dma_start3A_138 = arith.constant 0 : i32
      %dma_start3A_139 = tpu.memref_slice %arg8[%dma_start3A_137, %dma_start3A_138] : memref<504x128xf32, #tpu.memory_space<vmem>> -> memref<504x128xf32, #tpu.memory_space<vmem>>
      tpu.enqueue_dma source(%dma_start3A_139 : memref<504x128xf32, #tpu.memory_space<vmem>>) target(%dma_start3A_136 : memref<504x128xf32, #tpu.memory_space<hbm>>) target_semaphore(%arg15 : memref<!tpu.dma_semaphore, #tpu.memory_space<semaphore_mem>>)
      %dma_wait3A_140 = arith.constant 0 : i32
      %dma_wait3A_141 = arith.constant 0 : i32
      %dma_wait3A_142 = tpu.memref_slice %arg7[%dma_wait3A_140, %dma_wait3A_141] : memref<504x128xf32, #tpu.memory_space<vmem>> -> memref<504x128xf32, #tpu.memory_space<vmem>>
      %dma_wait3A_143 = arith.constant 0 : i32
      %dma_wait3A_144 = arith.constant 0 : i32
      %dma_wait3A_145 = tpu.memref_slice %arg5[%dma_wait3A_143, %dma_wait3A_144] : memref<50000x128xf32, #tpu.memory_space<hbm>> -> memref<504x128xf32, #tpu.memory_space<hbm>>
      %dma_wait3A_146 = arith.constant 0 : i32
      %dma_wait3A_147 = arith.constant 0 : i32
      %dma_wait3A_148 = tpu.memref_slice %arg5[%dma_wait3A_146, %dma_wait3A_147] : memref<50000x128xf32, #tpu.memory_space<hbm>> -> memref<504x128xf32, #tpu.memory_space<hbm>>
      %dma_wait3A_149 = arith.constant 0 : i32
      %dma_wait3A_150 = arith.constant 0 : i32
      %dma_wait3A_151 = tpu.memref_slice %arg7[%dma_wait3A_149, %dma_wait3A_150] : memref<504x128xf32, #tpu.memory_space<vmem>> -> memref<504x128xf32, #tpu.memory_space<vmem>>
      tpu.wait_dma2 semaphore(%arg14 : memref<!tpu.dma_semaphore, #tpu.memory_space<semaphore_mem>>) src(%dma_wait3A_151 : memref<504x128xf32, #tpu.memory_space<vmem>>) dst(%dma_wait3A_148 : memref<504x128xf32, #tpu.memory_space<hbm>>)
      %dma_wait3A_152 = arith.constant 0 : i32
      %dma_wait3A_153 = arith.constant 0 : i32
      %dma_wait3A_154 = tpu.memref_slice %arg7[%dma_wait3A_152, %dma_wait3A_153] : memref<504x128xf32, #tpu.memory_space<vmem>> -> memref<472x128xf32, #tpu.memory_space<vmem>>
      %dma_wait3A_155 = arith.constant 0 : i32
      %dma_wait3A_156 = arith.constant 0 : i32
      %dma_wait3A_157 = tpu.memref_slice %arg3[%dma_wait3A_155, %dma_wait3A_156] : memref<50000x128xf32, #tpu.memory_space<hbm>> -> memref<472x128xf32, #tpu.memory_space<hbm>>
      %dma_wait3A_158 = arith.constant 0 : i32
      %dma_wait3A_159 = arith.constant 0 : i32
      %dma_wait3A_160 = tpu.memref_slice %arg7[%dma_wait3A_158, %dma_wait3A_159] : memref<504x128xf32, #tpu.memory_space<vmem>> -> memref<472x128xf32, #tpu.memory_space<vmem>>
      %dma_wait3A_161 = arith.constant 0 : i32
      %dma_wait3A_162 = arith.constant 0 : i32
      %dma_wait3A_163 = tpu.memref_slice %arg3[%dma_wait3A_161, %dma_wait3A_162] : memref<50000x128xf32, #tpu.memory_space<hbm>> -> memref<472x128xf32, #tpu.memory_space<hbm>>
      tpu.wait_dma2 semaphore(%arg10 : memref<!tpu.dma_semaphore, #tpu.memory_space<semaphore_mem>>) src(%dma_wait3A_163 : memref<472x128xf32, #tpu.memory_space<hbm>>) dst(%dma_wait3A_160 : memref<472x128xf32, #tpu.memory_space<vmem>>)
      %dma_start3A_164 = arith.constant 0 : i32
      %dma_start3A_165 = arith.constant 0 : i32
      %dma_start3A_166 = tpu.memref_slice %arg7[%dma_start3A_164, %dma_start3A_165] : memref<504x128xf32, #tpu.memory_space<vmem>> -> memref<472x128xf32, #tpu.memory_space<vmem>>
      %dma_start3A_167 = arith.constant 1008 : i32
      %dma_start3A_168 = tpu.memref_slice %arg6[%dma_start3A_167] : memref<1568xi32, #tpu.memory_space<vmem>> -> memref<472xi32, #tpu.memory_space<vmem>>
      %dma_start3A_169 = arith.constant 0 : i32
      %dma_start3A_170 = arith.constant 0 : i32
      %dma_start3A_171 = tpu.memref_slice %arg2[%dma_start3A_169, %dma_start3A_170] : memref<100000x128xf32, #tpu.memory_space<hbm>> -> memref<100000x128xf32, #tpu.memory_space<hbm>>
      tpu.enqueue_indirect_dma source(%dma_start3A_171 : memref<100000x128xf32, #tpu.memory_space<hbm>>) target(%dma_start3A_166 : memref<472x128xf32, #tpu.memory_space<vmem>>) offsets(%dma_start3A_168 : memref<472xi32, #tpu.memory_space<vmem>>) semaphore(%arg12 : memref<!tpu.dma_semaphore, #tpu.memory_space<semaphore_mem>>) {add = true}
      %dma_wait3A_172 = arith.constant 0 : i32
      %dma_wait3A_173 = arith.constant 0 : i32
      %dma_wait3A_174 = tpu.memref_slice %arg7[%dma_wait3A_172, %dma_wait3A_173] : memref<504x128xf32, #tpu.memory_space<vmem>> -> memref<472x128xf32, #tpu.memory_space<vmem>>
      %dma_wait3A_175 = arith.constant 1008 : i32
      %dma_wait3A_176 = tpu.memref_slice %arg6[%dma_wait3A_175] : memref<1568xi32, #tpu.memory_space<vmem>> -> memref<472xi32, #tpu.memory_space<vmem>>
      %dma_wait3A_177 = arith.constant 0 : i32
      %dma_wait3A_178 = arith.constant 0 : i32
      %dma_wait3A_179 = tpu.memref_slice %arg2[%dma_wait3A_177, %dma_wait3A_178] : memref<100000x128xf32, #tpu.memory_space<hbm>> -> memref<100000x128xf32, #tpu.memory_space<hbm>>
      tpu.wait_indirect_dma semaphore(%arg12 : memref<!tpu.dma_semaphore, #tpu.memory_space<semaphore_mem>>) src(%dma_wait3A_179 : memref<100000x128xf32, #tpu.memory_space<hbm>>) dst(%dma_wait3A_174 : memref<472x128xf32, #tpu.memory_space<vmem>>)
      %add3A_180 = arith.constant 1008 : i32
      %add3A_181 = arith.addi %add3A_11, %add3A_180 : i32
      %dma_start3A_182 = arith.constant 0 : i32
      %dma_start3A_183 = arith.constant 0 : i32
      %dma_start3A_184 = tpu.memref_slice %arg7[%dma_start3A_182, %dma_start3A_183] : memref<504x128xf32, #tpu.memory_space<vmem>> -> memref<472x128xf32, #tpu.memory_space<vmem>>
      %dma_start3A_185 = arith.constant 0 : i32
      %dma_start3A_186 = tpu.memref_slice %arg5[%add3A_181, %dma_start3A_185] : memref<50000x128xf32, #tpu.memory_space<hbm>> -> memref<472x128xf32, #tpu.memory_space<hbm>>
      %dma_start3A_187 = arith.constant 0 : i32
      %dma_start3A_188 = tpu.memref_slice %arg5[%add3A_181, %dma_start3A_187] : memref<50000x128xf32, #tpu.memory_space<hbm>> -> memref<472x128xf32, #tpu.memory_space<hbm>>
      %dma_start3A_189 = arith.constant 0 : i32
      %dma_start3A_190 = arith.constant 0 : i32
      %dma_start3A_191 = tpu.memref_slice %arg7[%dma_start3A_189, %dma_start3A_190] : memref<504x128xf32, #tpu.memory_space<vmem>> -> memref<472x128xf32, #tpu.memory_space<vmem>>
      tpu.enqueue_dma source(%dma_start3A_191 : memref<472x128xf32, #tpu.memory_space<vmem>>) target(%dma_start3A_188 : memref<472x128xf32, #tpu.memory_space<hbm>>) target_semaphore(%arg14 : memref<!tpu.dma_semaphore, #tpu.memory_space<semaphore_mem>>)
      %dma_wait3A_192 = arith.constant 0 : i32
      %dma_wait3A_193 = arith.constant 0 : i32
      %dma_wait3A_194 = tpu.memref_slice %arg8[%dma_wait3A_192, %dma_wait3A_193] : memref<504x128xf32, #tpu.memory_space<vmem>> -> memref<504x128xf32, #tpu.memory_space<vmem>>
      %dma_wait3A_195 = arith.constant 0 : i32
      %dma_wait3A_196 = arith.constant 0 : i32
      %dma_wait3A_197 = tpu.memref_slice %arg5[%dma_wait3A_195, %dma_wait3A_196] : memref<50000x128xf32, #tpu.memory_space<hbm>> -> memref<504x128xf32, #tpu.memory_space<hbm>>
      %dma_wait3A_198 = arith.constant 0 : i32
      %dma_wait3A_199 = arith.constant 0 : i32
      %dma_wait3A_200 = tpu.memref_slice %arg5[%dma_wait3A_198, %dma_wait3A_199] : memref<50000x128xf32, #tpu.memory_space<hbm>> -> memref<504x128xf32, #tpu.memory_space<hbm>>
      %dma_wait3A_201 = arith.constant 0 : i32
      %dma_wait3A_202 = arith.constant 0 : i32
      %dma_wait3A_203 = tpu.memref_slice %arg8[%dma_wait3A_201, %dma_wait3A_202] : memref<504x128xf32, #tpu.memory_space<vmem>> -> memref<504x128xf32, #tpu.memory_space<vmem>>
      tpu.wait_dma2 semaphore(%arg15 : memref<!tpu.dma_semaphore, #tpu.memory_space<semaphore_mem>>) src(%dma_wait3A_203 : memref<504x128xf32, #tpu.memory_space<vmem>>) dst(%dma_wait3A_200 : memref<504x128xf32, #tpu.memory_space<hbm>>)
      %dma_wait3A_204 = arith.constant 0 : i32
      %dma_wait3A_205 = arith.constant 0 : i32
      %dma_wait3A_206 = tpu.memref_slice %arg7[%dma_wait3A_204, %dma_wait3A_205] : memref<504x128xf32, #tpu.memory_space<vmem>> -> memref<472x128xf32, #tpu.memory_space<vmem>>
      %dma_wait3A_207 = arith.constant 0 : i32
      %dma_wait3A_208 = arith.constant 0 : i32
      %dma_wait3A_209 = tpu.memref_slice %arg5[%dma_wait3A_207, %dma_wait3A_208] : memref<50000x128xf32, #tpu.memory_space<hbm>> -> memref<472x128xf32, #tpu.memory_space<hbm>>
      %dma_wait3A_210 = arith.constant 0 : i32
      %dma_wait3A_211 = arith.constant 0 : i32
      %dma_wait3A_212 = tpu.memref_slice %arg5[%dma_wait3A_210, %dma_wait3A_211] : memref<50000x128xf32, #tpu.memory_space<hbm>> -> memref<472x128xf32, #tpu.memory_space<hbm>>
      %dma_wait3A_213 = arith.constant 0 : i32
      %dma_wait3A_214 = arith.constant 0 : i32
      %dma_wait3A_215 = tpu.memref_slice %arg7[%dma_wait3A_213, %dma_wait3A_214] : memref<504x128xf32, #tpu.memory_space<vmem>> -> memref<472x128xf32, #tpu.memory_space<vmem>>
      tpu.wait_dma2 semaphore(%arg14 : memref<!tpu.dma_semaphore, #tpu.memory_space<semaphore_mem>>) src(%dma_wait3A_215 : memref<472x128xf32, #tpu.memory_space<vmem>>) dst(%dma_wait3A_212 : memref<472x128xf32, #tpu.memory_space<hbm>>)
    } else {
    }
    return
  }
}

</mosaic_0001>

<sc_bundles>
// kernel: kernel.3.cloned.1.call-start
scs
__scs_entry_jumppad:
0x0: {  	(pc) =	sbr.rel $0x88, $3  }
0x1: {  	(tag) =	ssettag $0x0;
	lr =	simm.s32 $0x1  }
0x2: {  	[smem:$0x3F9E] =	sst lr;
	_ =	strace $0xD0000000  }
0x3: {  	_ = 	snop  }
0x4: {  	_ = 	snop  }
0x5: {  	_ = 	snop  }
0x6: {  	_ = 	snop  }
0x7: {  	_ = 	snop  }
__scs_overlays_trampoline_lowered:
0x8: {  	[smem:$0x3FAD] =	sst s0  }
0x9: {  	[smem:$0x3FAE] =	sst s1  }
0xa: {  	[smem:$0x3FAF] =	sst s2  }
0xb: {  	[smem:$0x3FB0] =	sst s3  }
0xc: {  	[smem:$0x3FB1] =	sst s4  }
0xd: {  	[smem:$0x3FB2] =	sst s5  }
0xe: {  	[smem:$0x3FB3] =	sst s6  }
0xf: {  	[smem:$0x3FB4] =	sst s7  }
0x10: {  	[smem:$0x3FB5] =	sst s8  }
0x11: {  	[smem:$0x3FB6] =	sst s9;
	s0 =	simm.s32 @!p0 $0x0  }
0x12: {  	s1 =	sld [smem:$0x3F9C];
	s0 =	simm.s32 @p0 $0x1  }
0x13: {  	[smem:$0x3FB7] =	sst s0;
	s0 =	simm.s32 @!p1 $0x0  }
0x14: {  	s2 =	sld [smem:$0x3F9B];
	s0 =	simm.s32 @p1 $0x1  }
0x15: {  	[smem:$0x3FB8] =	sst s0;
	s0 =	simm.s32 @!p2 $0x0  }
0x16: {  	s3 =	sld [smem:$0x3FDB];
	s0 =	simm.s32 @p2 $0x1  }
0x17: {  	s4 =	simm.s32 $0x1BF5;
	[smem:$0x3FBA] =	sst s0  }
0x18: {  	s0 =	sld [smem:$0x3F9D];
	_ =	swait.ge [sflag:s4], $0x0  }
0x19: {  	s7 =	sld [smem:$0x3F9E]  }
0x1a: {  	s8 =	sadd.s32 $0xFFFFE003, lr  }
0x1b: {  	s9 =	sadd.s32 $0xFFFFFEF7, lr;
	s5 =	simm.s32 $0xFFFFFFFF;
	p2 =	slt.u32 s8, $0xFFFFF086  }
0x1c: {  	p1 =	slt.u32 s9, $0xF7A;
	s5 =	simm.s32 @!p2 $0x0  }
0x1d: {  	s5 =	simm.s32 @p1 $0x1;
	p0 =	seq.s32 s7, s2  }
0x1e: {  	s7 =	smul.u32 @!p0 $0xF7A, s2;
	p2 =	seq.s32 @!p0 s5, $0x0  }
0x1f: {  	s9 =	smul.u32 $0xF7A, s1;
	s8 =	simm.s32 @!p0 $0x1BF5;
	p2 =	por !p2, p0  }
0x20: {  	[sflag:s8] =	ssyncset.s32 @!p0 $0xFFFFF086;
	s6 =	sadd.s32 @!p0 s3, s7;
	s7 =	simm.s32 @!p0 $0x108  }
0x21: {  	s3 =	sadd.s32 s3, s9;
	s6 =	sadd.s32 @!p0 $0x88, s6;
	s7 =	simm.s32 @p2 $0x1082  }
0x22: {  	[simem:s7], [sflag:s8] =	dma.local @!p0 [hbm:s6], $0xF7A  }
0x23: {  	s9 =	sor.u32 $0xD0000000, s2;
	s6 =	simm.s32 $0x108;
	_ =	swait.ge @!p0 [sflag:s8], $0x0  }
0x24: {  	s3 =	sadd.s32 $0x88, s3;
	s6 =	simm.s32 @!p1 $0x1082;
	[sflag:s4] =	ssyncset.s32 $0xFFFFF086  }
0x25: {  	[simem:s6], [sflag:s4] =	dma.local [hbm:s3], $0xF7A  }
0x26: {  	[smem:$0x3F9E] =	sst s1;
	(tag) =	ssettag s2;
	_ =	strace s9  }
0x27: {  	s1 =	sld [smem:$0x3FAE]  }
0x28: {  	s2 =	sld [smem:$0x3FAF]  }
0x29: {  	s4 =	sld [smem:$0x3FB1]  }
0x2a: {  	p0 =	seq.s32 s5, $0x0;
	s5 =	sld [smem:$0x3FB2]  }
0x2b: {  	s6 =	sld [smem:$0x3FB3]  }
0x2c: {  	s7 =	sld [smem:$0x3FB4]  }
0x2d: {  	s3 =	simm.s32 $0x108;
	s8 =	sld [smem:$0x3FB5]  }
0x2e: {  	s3 =	simm.s32 @!p0 $0x1082;
	s9 =	sld [smem:$0x3FB6]  }
0x2f: {  	lr =	sadd.s32 s0, s3;
	s0 =	sld [smem:$0x3FAD]  }
0x30: {  	s3 =	sld [smem:$0x3FB0]  }
0x31: {  	[smem:$0x3FB9] =	sst s10  }
0x32: {  	s10 =	sld [smem:$0x3FB7];
	_ =	sdelay $0x3  }
0x33: {  	p0 =	seq.s32 s10, $0x1;
	s10 =	sld [smem:$0x3FB9];
	_ =	sdelay $0x3  }
0x34: {  	[smem:$0x3FB9] =	sst s10  }
0x35: {  	s10 =	sld [smem:$0x3FB8];
	_ =	sdelay $0x3  }
0x36: {  	p1 =	seq.s32 s10, $0x1;
	s10 =	sld [smem:$0x3FB9];
	_ =	sdelay $0x3  }
0x37: {  	[smem:$0x3FB9] =	sst s10  }
0x38: {  	s10 =	sld [smem:$0x3FBA]  }
0x39: {  	_ = 	snop;
	(pc) =	sbr.ind lr, $3  }
0x3a: {  	_ = 	snop  }
0x3b: {  	_ = 	snop  }
0x3c: {  	p2 =	seq.s32 s10, $0x1;
	s10 =	sld [smem:$0x3FB9]  }
0x3d: {  	_ =	shalt  }
0x3e: {  	_ =	shalt  }
0x3f: {  	_ =	shalt  }
0x40: {  	_ =	shalt  }
0x41: {  	_ =	shalt  }
0x42: {  	_ =	shalt  }
0x43: {  	_ =	shalt  }
0x44: {  	_ =	shalt  }
0x45: {  	_ =	shalt  }
0x46: {  	_ =	shalt  }
0x47: {  	_ =	shalt  }
0x48: {  	_ =	shalt  }
0x49: {  	_ =	shalt  }
0x4a: {  	_ =	shalt  }
0x4b: {  	_ =	shalt  }
0x4c: {  	_ =	shalt  }
0x4d: {  	_ =	shalt  }
0x4e: {  	_ =	shalt  }
0x4f: {  	_ =	shalt  }
0x50: {  	_ =	shalt  }
0x51: {  	_ =	shalt  }
0x52: {  	_ =	shalt  }
0x53: {  	_ =	shalt  }
0x54: {  	_ =	shalt  }
0x55: {  	_ =	shalt  }
0x56: {  	_ =	shalt  }
0x57: {  	_ =	shalt  }
0x58: {  	_ =	shalt  }
0x59: {  	_ =	shalt  }
0x5a: {  	_ =	shalt  }
0x5b: {  	_ =	shalt  }
0x5c: {  	_ =	shalt  }
0x5d: {  	_ =	shalt  }
0x5e: {  	_ =	shalt  }
0x5f: {  	_ =	shalt  }
0x60: {  	_ =	shalt  }
0x61: {  	_ =	shalt  }
0x62: {  	_ =	shalt  }
0x63: {  	_ =	shalt  }
0x64: {  	_ =	shalt  }
0x65: {  	_ =	shalt  }
0x66: {  	_ =	shalt  }
0x67: {  	_ =	shalt  }
0x68: {  	_ =	shalt  }
0x69: {  	_ =	shalt  }
0x6a: {  	_ =	shalt  }
0x6b: {  	_ =	shalt  }
0x6c: {  	_ =	shalt  }
0x6d: {  	_ =	shalt  }
0x6e: {  	_ =	shalt  }
0x6f: {  	_ =	shalt  }
0x70: {  	_ =	shalt  }
0x71: {  	_ =	shalt  }
0x72: {  	_ =	shalt  }
0x73: {  	_ =	shalt  }
0x74: {  	_ =	shalt  }
0x75: {  	_ =	shalt  }
0x76: {  	_ =	shalt  }
0x77: {  	_ =	shalt  }
0x78: {  	_ =	shalt  }
0x79: {  	_ =	shalt  }
0x7a: {  	_ =	shalt  }
0x7b: {  	_ =	shalt  }
0x7c: {  	_ =	shalt  }
0x7d: {  	_ =	shalt  }
0x7e: {  	_ =	shalt  }
0x7f: {  	_ =	shalt  }
0x80: {  	_ =	shalt  }
0x81: {  	_ =	shalt  }
0x82: {  	_ =	shalt  }
0x83: {  	_ =	shalt  }
0x84: {  	_ =	shalt  }
0x85: {  	_ =	shalt  }
0x86: {  	_ =	shalt  }
0x87: {  	_ =	shalt  }
.Lfunc_end0:
.L_simem_size_0:
called_computation_lowered:
.L_overlay_start_0:
0x88: {  	s2 =	sld [smem:$0x3FD9]  }
0x89: {  	s3 =	sld [smem:$0x3FFE];
	_ =	sdelay $0x1  }
0x8a: {  	s1 =	srdreg.scid  }
0x8b: {  	s0 =	sand.u32 $0x1, s1  }
0x8c: {  	s17 =	sshll.u32 s0, $0xA;
	s2 =	sadd.s32 s3, s2  }
0x8d: {  	s2 =	sadd.s32 s2, s17  }
0x8e: {  	[smem:$0x3FC5] =	sst s2  }
0x8f: {  	_ = 	snop  }
0x90: {  	s2 =	sld [smem:$0x3FC9]  }
0x91: {  	s18 =	sld [smem:$0x3FC8]  }
0x92: {  	s4 =	sld [smem:$0x3FD0];
	(tm) =	ssettm $0x1  }
0x93: {  	s5 =	sld [smem:$0x3FFB];
	_ =	sdelay $0x3  }
0x94: {  	_ =	strace s5  }
0x95: {  	s5 =	sld [smem:$0x3FFC];
	_ =	sdelay $0x3  }
0x96: {  	_ =	strace s5  }
0x97: {  	s5 =	sld [smem:$0x3FFD];
	_ =	sdelay $0x3  }
0x98: {  	_ =	strace s5  }
0x99: {  	_ =	strace $0x8FFFFFFF  }
0x9a: {  	s19 =	sld [smem:$0x3FDB];
	_ =	sdelay $0x1  }
0x9b: {  	s6 =	simm.s32 $_scs_section_size  }
0x9c: {  	s7 =	simm.s32 $_size__tile_overlayer_lowered;
	s8 =	simm.s32 $_tile_overlayer_lowered  }
0x9d: {  	s22 =	simm.s32 $0x1BFF;
	s21 =	sshll.u32 s8, $0x1;
	s5 =	sadd.s32 s6, s19  }
0x9e: {  	s9 =	simm.s32 $0x0;
	s20 =	sshll.u32 s7, $0x1;
	s7 =	sadd.s32 s21, s5  }
0x9f: {  	[timem:s9], [sflag:s22] =	dma.local [hbm:s7], s20  }
0xa0: {  	_ =	swait.ge [sflag:s22], s20  }
0xa1: {  	s6 =	ssub.s32 $0x0, s20;
	[sflag:s22] =	ssyncset.done $0x0  }
0xa2: {  	[sflag:s22] =	ssyncadd.s32 s6;
	_ =	sdelay $0x1  }
0xa3: {  	s23 =	simm.s32 $0x1B8B  }
0xa4: {  	_ =	swait.ge [sflag:s23], $0x1  }
0xa5: {  	[sflag:s23] =	ssyncset.done $0x0  }
0xa6: {  	s25 =	simm.s32 $0x1B8E;
	s24 =	sld [smem:$0x3FFE];
	[sflag:s23] =	ssyncadd.s32 $0xFFFFFFFF  }
0xa7: {  	s26 =	simm.s32 $execute0_lowered;
	[smem:$0x3FD2] =	sst s25  }
0xa8: {  	s7 =	sshll.u32 s26, $0x1;
	_ =	strace $0x80000046;
	[dreg:$0x1] =	wrdreg $0xFFFFFFFF  }
0xa9: {  	s28 =	simm.s32 $_size_execute0_lowered;
	s5 =	sadd.s32 s5, s7;
	[dreg:$0x0] =	wrdreg $0x0  }
0xaa: {  	s7 =	sshll.u32 s28, $0x1;
	[dreg:$0x2] =	wrdreg s5  }
0xab: {  	[dreg:$0x3] =	wrdreg s7  }
0xac: {  	[dreg:$0x4] =	wrdreg $0xC0  }
0xad: {  	_ =	task [dreg:s9], $0x5FFFF  }
0xae: {  	[dreg:$0x1] =	wrdreg $0xFFFFFFFF  }
0xaf: {  	[dreg:$0x0] =	wrdreg $0x60  }
0xb0: {  	[dreg:$0x2] =	wrdreg s2  }
0xb1: {  	[dreg:$0x3] =	wrdreg s18  }
0xb2: {  	[dreg:$0x4] =	wrdreg s24  }
0xb3: {  	[dreg:$0x5] =	wrdreg s4  }
0xb4: {  	[dreg:$0x6] =	wrdreg $0x9  }
0xb5: {  	_ =	task.clear_ibuf [dreg:s9], $0x7FFFF;
	_ =	strace $0x90000046  }
0xb6: {  	s29 =	simm.s32 $0x9;
	_ =	strace $0x80000048  }
0xb7: {  	_ =	swait.ge [sflag:s29], $0x1  }
0xb8: {  	[sflag:s29] =	ssyncadd.s32 $0xFFFFFFFF  }
0xb9: {  	_ =	strace $0x90000048  }
0xba: {  	_ =	sfence  }
0xbb: {  	s30 =	sld [smem:$0x0];
	_ =	sdelay $0x2  }
0xbc: {  	s31 =	sshll.u32 s1, $0xD;
	s1 =	sshrl.u32 s1, $0x2  }
0xbd: {  	s3 =	sand.u32 $0x4000, s31;
	s1 =	sadd.s32 s1, s30  }
0xbe: {  	s0 =	sor.u32 s3, s0;
	s1 =	sshll.u32 s1, $0x11  }
0xbf: {  	s0 =	sor.u32 s1, s0  }
0xc0: {  	s0 =	sadd.s32 $0x8F2B, s0  }
0xc1: {  	[sflag:s0] =	ssyncadd.remote.s32 $0x1  }
0xc2: {  	_ =	sfence.sel $0xFFFF  }
0xc3: {  	[dreg:$0x0] =	wrdreg $0xFFFFFFFF;
	(pc) =	sbr.abs _section_cstart, $3  }
0xc4: {  	[dreg:$0x1] =	wrdreg $0xFFFFFFFF  }
0xc5: {  	_ =	task.clear_ibuf [dreg:s9], $0x2FFFF;
	_ =	strace $0x9FFFFFFF  }
0xc6: {  	(tm) =	ssettm $0x7FFFFFFF  }
0xc7: {  	_ =	shalt  }
tec
execute0_lowered:
.L_overlay_start_1:
0x0: {  	(tag) =	ssettag $0x1  }
0x1: {  	s1 =	rddreg [dreg:$0x0]  }
0x2: {  	s0 =	rddreg [dreg:$0x1]  }
0x3: {  	s2 =	srdreg.scid;
	s13 =	rddreg [dreg:$0x2]  }
0x4: {  	s21 =	stileid.u32;
	s19 =	rddreg [dreg:$0x3];
	s22 =	simm.s32 $0x10280  }
0x5: {  	s23 =	simm.s32 $0x1;
	s2 =	sand.u32 $0x1, s2;
	s3 =	sshll.u32 s21, $0x1  }
0x6: {  	s24 =	simm.s32 $0x2;
	s28 =	simm.s32 $0x3;
	s11 =	sor.u32 s2, s3  }
0x7: {  	s29 =	simm.s32 $0x5;
	s30 =	simm.s32 $0x6;
	s4 =	smul.u32 $0x31000, s11  }
0x8: {  	p0 =	seq.s32 s21, $0xF;
	s21 =	simm.s32 $0x680;
	s5 =	smul.u32 $0xC4, s11  }
0x9: {  	s3 =	simm.s32 $0x0;
	s2 =	ssub.s32 $0x2, s2;
	s7 =	smul.u32 $0x6200, s11  }
0xa: {  	[smem:$0x7FF] =	sst s3;
	s6 =	sshrl.u32 s2, $0x1;
	s14 =	smul.u32 $0x5C8, s11  }
0xb: {  	s16 =	smul.u32 $0x2E400, s11;
	_ =	strace $0x80000047;
	s2 =	ssub.s32 s2, s6  }
0xc: {  	s10 =	sshrl.u32 s4, $0x3;
	s25 =	sadd.s32 s13, s5;
	s5 =	sadd.s32 s0, s7  }
0xd: {  	s7 =	sadd.s32 s19, s7;
	s14 =	sadd.s32 $0xA50, s14;
	s31 =	sshrl.u32 s16, $0x3  }
0xe: {  	s9 =	sadd.s32 $0x1F80, s10;
	[dreg:$0x5] =	wrdreg s25;
	s12 =	sadd.s32 $0x3F00, s10  }
0xf: {  	s15 =	sadd.s32 $0x5E80, s10;
	s26 =	sshrl.u32 s14, $0x3;
	s17 =	sshll.u32 s14, $0x4  }
0x10: {  	s18 =	sadd.s32 $0xC480, s31;
	s20 =	sadd.s32 $0xE400, s31;
	s25 =	simm.s32 $0x1F8  }
0x11: {  	s6 =	sadd.s32 s0, s9;
	s8 =	sadd.s32 s0, s12;
	s9 =	sadd.s32 s19, s9  }
.Ltmp0:
0x12: {  	s10 =	sadd.s32 s0, s15;
	s11 =	sadd.s32 s19, s12;
	(pc) =	sbr.rel .LBB2_1-.Ltmp0, $4  }
0x13: {  	s12 =	sadd.s32 s19, s15;
	s13 =	sadd.s32 s13, s26;
	s14 =	sadd.s32 s0, s17  }
0x14: {  	s15 =	sadd.s32 s0, s18;
	s16 =	sadd.s32 s19, s17;
	s17 =	sadd.s32 s0, s20  }
0x15: {  	s18 =	sadd.s32 s19, s18;
	s19 =	sadd.s32 s19, s20;
	s20 =	smax.u32 s2, $0x1  }
0x16: {  	s26 =	simm.s32 $0x4;
	s2 =	simm.s32 $0x3F0;
	s0 =	simm.s32 $0x7  }
.LBB2_3:
0x17: {  	[tilespmem:s3], [sflag:$0x1] =	stream.linear.gather [hbm4b:s13+s3], $0x5C8, $0x38;
	[tilespmem:$0x1FE80] =	vst v63  }
0x18: {  	_ = 	snop  }
0x19: {  	[tilespmem:s21], [sflag:$0x2] =	stream.linear.gather [hbm4b:s14+s3], $0xFC00, $0x38;
	[tilespmem:$0x1FE80] =	vst v63  }
0x1a: {  	_ = 	snop  }
0x1b: {  	[tilespmem:s22], [sflag:$0x3] =	stream.linear.gather [hbm4b:s15+s3], $0xFC00, $0x38;
	[tilespmem:$0x1FE80] =	vst v63  }
0x1c: {  	_ =	swait.ge [sflag:s23], $0x5C8  }
0x1d: {  	[sflag:s23] =	ssyncset.done $0x0  }
0x1e: {  	[sflag:s23] =	ssyncadd.s32 $0xFFFFFA38  }
0x1f: {  	_ =	swait.ge [sflag:s24], $0xFC00  }
0x20: {  	[sflag:s24] =	ssyncset.done $0x0  }
0x21: {  	[sflag:s24] =	ssyncadd.s32 $0xFFFF0400  }
0x22: {  	[tilespmem:s21], [sflag:$0x4] =	stream.indirect.gather.add.f32 [hbm:s1], $0x80, s3, s25, $0xb8;
	[tilespmem:$0x1FE80] =	vst v63  }
0x23: {  	_ =	swait.ge [sflag:s26], $0xFC00  }
0x24: {  	[sflag:s26] =	ssyncset.done $0x0  }
0x25: {  	[sflag:s26] =	ssyncadd.s32 $0xFFFF0400  }
0x26: {  	[hbm4b:s16+s3] =	stream.linear.scatter [tilespmem:s21], [sflag:$0x6], $0xFC00, $0x38;
	[tilespmem:$0x1FE80] =	vst v63  }
0x27: {  	_ = 	snop  }
0x28: {  	[tilespmem:s21], [sflag:$0x2] =	stream.linear.gather [hbm4b:s17+s3], $0xEC00, $0x38;
	[tilespmem:$0x1FE80] =	vst v63  }
0x29: {  	_ =	swait.ge [sflag:s28], $0xFC00  }
0x2a: {  	[sflag:s28] =	ssyncset.done $0x0  }
0x2b: {  	[sflag:s28] =	ssyncadd.s32 $0xFFFF0400  }
0x2c: {  	[tilespmem:s22], [sflag:$0x5] =	stream.indirect.gather.add.f32 [hbm:s1], $0x80, s25, s25, $0xb8;
	[tilespmem:$0x1FE80] =	vst v63  }
0x2d: {  	_ =	swait.ge [sflag:s29], $0xFC00  }
0x2e: {  	[sflag:s29] =	ssyncset.done $0x0  }
0x2f: {  	[sflag:s29] =	ssyncadd.s32 $0xFFFF0400  }
0x30: {  	[hbm4b:s18+s3] =	stream.linear.scatter [tilespmem:s22], [sflag:$0x7], $0xFC00, $0x38;
	[tilespmem:$0x1FE80] =	vst v63  }
0x31: {  	_ =	swait.ge [sflag:s30], $0xFC00  }
0x32: {  	[sflag:s30] =	ssyncset.done $0x0  }
0x33: {  	[sflag:s30] =	ssyncadd.s32 $0xFFFF0400  }
0x34: {  	_ =	swait.ge [sflag:s24], $0xEC00  }
0x35: {  	[sflag:s24] =	ssyncset.done $0x0  }
0x36: {  	s31 =	simm.s32 $0x1D8;
	[sflag:s24] =	ssyncadd.s32 $0xFFFF1400  }
0x37: {  	[tilespmem:s21], [sflag:$0x4] =	stream.indirect.gather.add.f32 [hbm:s1], $0x80, s2, s31, $0xb8;
	[tilespmem:$0x1FE80] =	vst v63  }
0x38: {  	_ =	swait.ge [sflag:s26], $0xEC00  }
0x39: {  	[sflag:s26] =	ssyncset.done $0x0  }
0x3a: {  	[sflag:s26] =	ssyncadd.s32 $0xFFFF1400  }
0x3b: {  	[hbm4b:s19+s3] =	stream.linear.scatter [tilespmem:s21], [sflag:$0x6], $0xEC00, $0x38;
	[tilespmem:$0x1FE80] =	vst v63  }
0x3c: {  	_ =	swait.ge [sflag:s0], $0xFC00  }
0x3d: {  	[sflag:s0] =	ssyncset.done $0x0  }
0x3e: {  	[sflag:s0] =	ssyncadd.s32 $0xFFFF0400  }
0x3f: {  	_ =	swait.ge [sflag:s30], $0xEC00  }
0x40: {  	[sflag:s30] =	ssyncset.done $0x0  }
0x41: {  	[sflag:s30] =	ssyncadd.s32 $0xFFFF1400  }
.LBB2_4:
0x42: {  	s20 =	sadd.s32 $0xFFFFFFFF, s20  }
0x43: {  	p1 =	sne.s32 s20, $0x0  }
.Ltmp1:
0x44: {  	_ = 	snop;
	(pc) =	sbr.rel @!p1 .LBB2_5-.Ltmp1, $1  }
0x45: {  	_ =	sdelay $0x3  }
.LBB2_1:
.Ltmp2:
0x46: {  	(pc) =	sbr.rel @p0 .LBB2_3-.Ltmp2, $1  }
0x47: {  	_ =	sdelay $0x3  }
0x48: {  	s4 =	rddreg [dreg:$0x5]  }
0x49: {  	[tilespmem:s3], [sflag:$0x1] =	stream.linear.gather [hbm4b:s4+s3], $0x620, $0x38;
	[tilespmem:$0x1FE80] =	vst v63  }
0x4a: {  	_ = 	snop  }
0x4b: {  	[tilespmem:s21], [sflag:$0x2] =	stream.linear.gather [hbm4b:s5+s3], $0xFC00, $0x38;
	[tilespmem:$0x1FE80] =	vst v63  }
0x4c: {  	_ = 	snop  }
0x4d: {  	[tilespmem:s22], [sflag:$0x3] =	stream.linear.gather [hbm4b:s6+s3], $0xFC00, $0x38;
	[tilespmem:$0x1FE80] =	vst v63  }
0x4e: {  	_ =	swait.ge [sflag:s23], $0x620  }
0x4f: {  	[sflag:s23] =	ssyncset.done $0x0  }
0x50: {  	[sflag:s23] =	ssyncadd.s32 $0xFFFFF9E0  }
0x51: {  	_ =	swait.ge [sflag:s24], $0xFC00  }
0x52: {  	[sflag:s24] =	ssyncset.done $0x0  }
0x53: {  	[sflag:s24] =	ssyncadd.s32 $0xFFFF0400  }
0x54: {  	[tilespmem:s21], [sflag:$0x4] =	stream.indirect.gather.add.f32 [hbm:s1], $0x80, s3, s25, $0xb8;
	[tilespmem:$0x1FE80] =	vst v63  }
0x55: {  	_ =	swait.ge [sflag:s26], $0xFC00  }
0x56: {  	[sflag:s26] =	ssyncset.done $0x0  }
0x57: {  	[sflag:s26] =	ssyncadd.s32 $0xFFFF0400  }
0x58: {  	[hbm4b:s7+s3] =	stream.linear.scatter [tilespmem:s21], [sflag:$0x6], $0xFC00, $0x38;
	[tilespmem:$0x1FE80] =	vst v63  }
0x59: {  	_ = 	snop  }
0x5a: {  	[tilespmem:s21], [sflag:$0x2] =	stream.linear.gather [hbm4b:s8+s3], $0xFC00, $0x38;
	[tilespmem:$0x1FE80] =	vst v63  }
0x5b: {  	_ =	swait.ge [sflag:s28], $0xFC00  }
0x5c: {  	[sflag:s28] =	ssyncset.done $0x0  }
0x5d: {  	[sflag:s28] =	ssyncadd.s32 $0xFFFF0400  }
0x5e: {  	[tilespmem:s22], [sflag:$0x5] =	stream.indirect.gather.add.f32 [hbm:s1], $0x80, s25, s25, $0xb8;
	[tilespmem:$0x1FE80] =	vst v63  }
0x5f: {  	_ =	swait.ge [sflag:s29], $0xFC00  }
0x60: {  	[sflag:s29] =	ssyncset.done $0x0  }
0x61: {  	[sflag:s29] =	ssyncadd.s32 $0xFFFF0400  }
0x62: {  	[hbm4b:s9+s3] =	stream.linear.scatter [tilespmem:s22], [sflag:$0x7], $0xFC00, $0x38;
	[tilespmem:$0x1FE80] =	vst v63  }
0x63: {  	_ =	swait.ge [sflag:s30], $0xFC00  }
0x64: {  	[sflag:s30] =	ssyncset.done $0x0  }
0x65: {  	[sflag:s30] =	ssyncadd.s32 $0xFFFF0400  }
0x66: {  	[tilespmem:s22], [sflag:$0x3] =	stream.linear.gather [hbm4b:s10+s3], $0x1C00, $0x38;
	[tilespmem:$0x1FE80] =	vst v63  }
0x67: {  	_ =	swait.ge [sflag:s24], $0xFC00  }
0x68: {  	[sflag:s24] =	ssyncset.done $0x0  }
0x69: {  	[sflag:s24] =	ssyncadd.s32 $0xFFFF0400  }
0x6a: {  	[tilespmem:s21], [sflag:$0x4] =	stream.indirect.gather.add.f32 [hbm:s1], $0x80, s2, s25, $0xb8;
	[tilespmem:$0x1FE80] =	vst v63  }
0x6b: {  	_ =	swait.ge [sflag:s26], $0xFC00  }
0x6c: {  	[sflag:s26] =	ssyncset.done $0x0  }
0x6d: {  	[sflag:s26] =	ssyncadd.s32 $0xFFFF0400  }
0x6e: {  	[hbm4b:s11+s3] =	stream.linear.scatter [tilespmem:s21], [sflag:$0x6], $0xFC00, $0x38;
	[tilespmem:$0x1FE80] =	vst v63  }
0x6f: {  	_ =	swait.ge [sflag:s0], $0xFC00  }
0x70: {  	[sflag:s0] =	ssyncset.done $0x0  }
0x71: {  	[sflag:s0] =	ssyncadd.s32 $0xFFFF0400  }
0x72: {  	_ =	swait.ge [sflag:s28], $0x1C00  }
0x73: {  	[sflag:s28] =	ssyncset.done $0x0  }
0x74: {  	s31 =	simm.s32 $0x38;
	s4 =	simm.s32 $0x5E8;
	[sflag:s28] =	ssyncadd.s32 $0xFFFFE400  }
0x75: {  	[tilespmem:s22], [sflag:$0x5] =	stream.indirect.gather.add.f32 [hbm:s1], $0x80, s4, s31, $0xb8;
	[tilespmem:$0x1FE80] =	vst v63  }
0x76: {  	_ =	swait.ge [sflag:s29], $0x1C00  }
0x77: {  	[sflag:s29] =	ssyncset.done $0x0  }
0x78: {  	[sflag:s29] =	ssyncadd.s32 $0xFFFFE400  }
0x79: {  	[hbm4b:s12+s3] =	stream.linear.scatter [tilespmem:s22], [sflag:$0x7], $0x1C00, $0x38;
	[tilespmem:$0x1FE80] =	vst v63  }
0x7a: {  	_ =	swait.ge [sflag:s30], $0xFC00  }
.Ltmp3:
0x7b: {  	[sflag:s30] =	ssyncset.done $0x0;
	(pc) =	sbr.rel .LBB2_4-.Ltmp3, $4  }
0x7c: {  	[sflag:s30] =	ssyncadd.s32 $0xFFFF0400  }
0x7d: {  	_ =	swait.ge [sflag:s0], $0x1C00  }
0x7e: {  	[sflag:s0] =	ssyncset.done $0x0  }
0x7f: {  	[sflag:s0] =	ssyncadd.s32 $0xFFFFE400  }
.LBB2_5:
0x80: {  	_ =	sfence.sel $0x180000  }
0x81: {  	[bflag:$0x0] =	sbarrier.arrive $0xFFFF  }
0x82: {  	_ =	strace $0x90000047  }
0x83: {  	s0 =	stileid.u32;
	[bflag:$0x2] =	sbarrier.arrive $0xFFFF  }
0x84: {  	p0 =	sne.s32 s0, $0x0;
	s0 =	rddreg [dreg:$0x4]  }
0x85: {  	s0 =	sadd.s32 @!p0 $0x100000, s0  }
0x86: {  	[sflag:s0] =	ssyncadd.tile.s32 @!p0 $0x1;
	_ =	shalt  }
.Lfunc_end2:
_tile_overlayer_lowered:
.L_overlay_start_2:
0x87: {  	(tag) =	ssettag $0x2  }
0x88: {  	s0 =	rddreg [dreg:$0x0];
	s2 =	stileid.u32  }
0x89: {  	s1 =	rddreg [dreg:$0x1];
	p0 =	sne.s32 s2, $0x0  }
0x8a: {  	s3 =	rddreg [dreg:$0x2];
	[bflag:$0x3] =	sbarrier.arrive $0xFFFF;
	s2 =	simm.s32 @!p0 $0x1C08  }
0x8b: {  	[timem:s3], [sflag:s2] =	dma.local @!p0 [hbm:s0], s1  }
0x8c: {  	s0 =	simm.s32 @!p0 $0x8  }
0x8d: {  	_ =	swait.ge @!p0 [sflag:s0], s1  }
0x8e: {  	s1 =	ssub.s32 @!p0 $0x0, s1;
	[sflag:s0] =	ssyncset.done @!p0 $0x0  }
0x8f: {  	[sflag:s0] =	ssyncadd.s32 @!p0 s1  }
0x90: {  	[bflag:$0x3] =	sbarrier.arrive $0xFFFF  }
0x91: {  	_ =	shalt  }

</sc_bundles>
